<compile_context>
chip_gen: v7x
topology: tpu7x:2x2x1
jax: 0.10.2.dev20260603
libtpu: 0.0.44.dev20260713+nightly
codegen_flags: <defaults>
</compile_context>

<pallas_src>
import jax
import jax.numpy as jnp
from jax import lax
from jax.experimental import pallas as pl
from jax.experimental.pallas import tpu as pltpu
from jax.experimental.pallas import tpu_sc as plsc

N = 262144
P_ID = 65536
P_PT = 32768
P_MOD = 32768
P = P_ID + P_PT + P_MOD
C = P + N
D = 128
PAD = 0

TILE = 2048
NC = 2
NS = 16
NW = NC * NS

_f32 = jnp.float32
_i32 = jnp.int32


def _oh(idx_col, v, dtype=_f32):
    rows = idx_col.shape[0]
    io = lax.broadcasted_iota(_i32, (rows, v), 1)
    return (idx_col == io).astype(dtype)



def _unpack(w0, w1):
    typ = w0 & 255
    maj = (w0 >> 8) & 31
    mnr = (w0 >> 13) & 63
    nrc = (w0 >> 19) & 31
    ltr = w1 & 63
    rtl = (w1 >> 6) & 63
    return typ, maj, mnr, nrc, ltr, rtl


def _base_body(w0_ref, w1_ref, t1_ref, t2_ref, t3_ref, t4_ref, t5_ref, b_ref,
               out_ref):
    typ, maj, mnr, nrc, ltr, rtl = _unpack(w0_ref[...], w1_ref[...])
    first = jnp.where(
        mnr == PAD,
        jnp.dot(_oh(typ, 200), t1_ref[...], preferred_element_type=_f32),
        jnp.dot(_oh(maj, 32), t2_ref[...], preferred_element_type=_f32)
        + jnp.dot(_oh(mnr, 64), t3_ref[...], preferred_element_type=_f32),
    )
    acc = (first
           + jnp.dot(_oh(nrc, 32), t4_ref[...], preferred_element_type=_f32)
           + jnp.dot(_oh(ltr, 64) + _oh(rtl, 64), t5_ref[...],
                     preferred_element_type=_f32)
           + b_ref[...])
    out_ref[...] = jnp.maximum(acc, 0.0)



def _leaf_body(comb_in_ref, w0_ref, w1_ref, idenc_ref, featpm_ref, wida_ref,
               t1_ref, t2_ref, t3_ref, t4_ref, t5_ref, ft_ref, b_ref,
               out_ref):
    del comb_in_ref
    i = pl.program_id(0)
    typ, maj, mnr, nrc, ltr, rtl = _unpack(w0_ref[...], w1_ref[...])
    first = jnp.where(
        mnr == PAD,
        jnp.dot(_oh(typ, 200), t1_ref[0], preferred_element_type=_f32),
        jnp.dot(_oh(maj, 32), t2_ref[0], preferred_element_type=_f32)
        + jnp.dot(_oh(mnr, 64), t3_ref[0], preferred_element_type=_f32),
    )
    acc = (first
           + jnp.dot(_oh(nrc, 32), t4_ref[0], preferred_element_type=_f32)
           + jnp.dot(_oh(ltr, 64) + _oh(rtl, 64), t5_ref[0],
                     preferred_element_type=_f32)
           + b_ref[0])

    @pl.when(i < P_ID // TILE)
    def _id_region():
        feat = jnp.dot(idenc_ref[...], wida_ref[...],
                       preferred_element_type=_f32)
        out_ref[...] = jnp.maximum(acc + feat, 0.0)

    @pl.when(i >= P_ID // TILE)
    def _pm_region():
        feat = jnp.dot(_oh(featpm_ref[...], 16), ft_ref[0],
                       preferred_element_type=_f32)
        out_ref[...] = jnp.maximum(acc + feat, 0.0)



def _sc_fused(w0_hbm, w1_hbm, lnodes_hbm, ident_hbm, ididx_hbm,
              w0_out, w1_out, idrows_out, src_out,
              idxa_v, idxi_v, b0, b1, rbuf, aux_v, sbuf, srcb, tmp16, sem):
    wid = lax.axis_index("s") * NC + lax.axis_index("c")
    iota16 = lax.iota(_i32, 16)
    nxtidx = jnp.minimum(iota16 + 1, 15)

    @pl.when(wid < 16)
    def _gather_half():
        g = wid
        a0 = g * (P // 16)
        pltpu.sync_copy(lnodes_hbm.at[pl.ds(a0, 8192)], idxa_v)

        def _ga(k, _):
            sl = pl.ds(k * 128, 128)
            pltpu.async_copy(w0_hbm.at[idxa_v.at[sl]], b0.at[sl], sem).wait()
            pltpu.async_copy(w1_hbm.at[idxa_v.at[sl]], b1.at[sl], sem).wait()
            return 0
        lax.fori_loop(0, 64, _ga, 0)
        pltpu.sync_copy(b0, w0_out.at[pl.ds(a0, 8192)])
        pltpu.sync_copy(b1, w1_out.at[pl.ds(a0, 8192)])
        i0 = g * (P_ID // 16)
        pltpu.sync_copy(ididx_hbm.at[pl.ds(i0, 4096)], idxi_v)
        for oc in range(8):
            def _gi(k, _, oc=oc):
                pltpu.async_copy(
                    ident_hbm.at[idxi_v.at[pl.ds(oc * 512 + k * 128, 128)]],
                    rbuf.at[pl.ds(k * 128, 128)], sem).wait()
                return 0
            lax.fori_loop(0, 4, _gi, 0)
            pltpu.sync_copy(rbuf, idrows_out.at[pl.ds(i0 + oc * 512, 512)])

    @pl.when(wid >= 16)
    def _winner_half():
        R = N // 16
        lo = (wid - 16) * R
        neg16 = jnp.full((16,), -1, _i32)

        def _z(j, _):
            aux_v[pl.ds(j * 16, 16)] = neg16
            return 0
        lax.fori_loop(0, R // 16, _z, 0)

        def _one(cb, j):
            v = sbuf[pl.ds(j * 16, 16)]
            m = (v >= lo) & (v < lo + R)

            @pl.when(jnp.any(m))
            def _hit():
                pos = cb * 4096 + j * 16 + iota16
                c = jnp.where(m, ((v - lo) << 17) | pos, -1)
                sc, _unused = plsc.sort_key_val(c, c)
                tmp16[...] = sc
                nxt = plsc.load_gather(tmp16, [nxtidx])
                islast = ((sc >> 17) != (nxt >> 17)) | (iota16 == 15)
                upd = islast & (sc >= 0)
                addr = jnp.maximum(sc >> 17, 0)
                plsc.store_scatter(aux_v, [addr], sc & 0x1FFFF, mask=upd)

        def _outer(cb, _):
            pltpu.sync_copy(lnodes_hbm.at[pl.ds(cb * 4096, 4096)], sbuf)

            def _inner(jj, _):
                _one(cb, 2 * jj)
                _one(cb, 2 * jj + 1)
                return 0
            lax.fori_loop(0, 128, _inner, 0)
            return 0
        lax.fori_loop(0, P // 4096, _outer, 0)

        def _src(q, _):
            def _sv(j, _):
                k = aux_v[pl.ds(q * 2048 + j * 16, 16)]
                node = lo + q * 2048 + j * 16 + iota16
                srcb[pl.ds(j * 16, 16)] = jnp.where(k >= 0, k, node + P)
                return 0
            lax.fori_loop(0, 128, _sv, 0)
            pltpu.sync_copy(srcb, src_out.at[pl.ds(lo + q * 2048, 2048)])
            return 0
        lax.fori_loop(0, R // 2048, _src, 0)


def _sc_emit(src_hbm, comb_hbm, out_hbm, srcv, rbuf, sem):
    wid = lax.axis_index("s") * NC + lax.axis_index("c")
    n0 = wid * (N // NW)

    def _chunk(ch, _):
        base = n0 + ch * 512
        pltpu.sync_copy(src_hbm.at[pl.ds(base, 512)], srcv)

        def _g(k, _):
            pltpu.async_copy(
                comb_hbm.at[srcv.at[pl.ds(k * 128, 128)]],
                rbuf.at[pl.ds(k * 128, 128)], sem).wait()
            return 0
        lax.fori_loop(0, 4, _g, 0)
        pltpu.sync_copy(rbuf, out_hbm.at[pl.ds(base, 512)])
        return 0
    lax.fori_loop(0, N // NW // 512, _chunk, 0)


def _sc_mesh():
    return plsc.VectorSubcoreMesh(core_axis_name="c", subcore_axis_name="s",
                                  num_cores=NC, num_subcores=NS)


def _fused_call(*args):
    return pl.kernel(
        _sc_fused,
        out_type=(jax.ShapeDtypeStruct((P,), _i32),
                  jax.ShapeDtypeStruct((P,), _i32),
                  jax.ShapeDtypeStruct((P_ID, D), _f32),
                  jax.ShapeDtypeStruct((N,), _i32)),
        scratch_types=[
            pltpu.VMEM((8192,), _i32),
            pltpu.VMEM((4096,), _i32),
            pltpu.VMEM((8192,), _i32),
            pltpu.VMEM((8192,), _i32),
            pltpu.VMEM((512, D), _f32),
            pltpu.VMEM((N // 16,), _i32),
            pltpu.VMEM((4096,), _i32),
            pltpu.VMEM((2048,), _i32),
            pltpu.VMEM((16,), _i32),
            pltpu.SemaphoreType.DMA,
        ],
        mesh=_sc_mesh(),
        compiler_params=pltpu.CompilerParams(needs_layout_passes=False),
    )(*args)


def _emit_call(*args):
    return pl.kernel(
        _sc_emit,
        out_type=jax.ShapeDtypeStruct((N, D), _f32),
        scratch_types=[
            pltpu.VMEM((512,), _i32),
            pltpu.VMEM((512, D), _f32),
            pltpu.SemaphoreType.DMA,
        ],
        mesh=_sc_mesh(),
        compiler_params=pltpu.CompilerParams(needs_layout_passes=False),
    )(*args)


def _fold(table, w_part):
    return jnp.dot(table, w_part, preferred_element_type=_f32)


def _fold_stage(type_emb, major_emb, minor_emb, nrc_emb, pos_emb, w):
    a, b, c = w[0:128], w[128:160], w[160:192]
    t1 = _fold(type_emb, a)
    t2 = jnp.pad(_fold(major_emb, a[0:85]), ((0, 2), (0, 0)))
    t3 = jnp.pad(_fold(minor_emb, a[85:128]), ((0, 4), (0, 0)))
    t4 = _fold(nrc_emb, b)
    t5 = _fold(pos_emb, c)
    return t1, t2, t3, t4, t5


def kernel(ast_node_types, ast_node_major_types, ast_node_minor_types,
           ast_node_nr_children, ast_node_child_ltr_position,
           ast_node_child_rtl_position, id_leaf_node_indices,
           id_leaf_identifier_idx, prim_leaf_node_indices,
           prim_leaf_primitive_type, mod_leaf_node_indices, mod_leaf_modifier,
           identifiers_encodings, type_emb, major_emb, minor_emb, nrc_emb,
           pos_emb, prim_emb, mod_emb, W_id, b_id, W_prim, b_prim, W_mod,
           b_mod, W_wo, b_wo):
    ii = lambda x: x.astype(_i32)
    w0 = (ii(ast_node_types) | (ii(ast_node_major_types) << 8)
          | (ii(ast_node_minor_types) << 13) | (ii(ast_node_nr_children) << 19))
    w1 = ii(ast_node_child_ltr_position) | (ii(ast_node_child_rtl_position) << 6)
    leaf_nodes = jnp.concatenate([ii(id_leaf_node_indices),
                                  ii(prim_leaf_node_indices),
                                  ii(mod_leaf_node_indices)])
    featpm = jnp.concatenate([ii(prim_leaf_primitive_type),
                              ii(mod_leaf_modifier)]).reshape(-1, 1)

    tw = _fold_stage(type_emb, major_emb, minor_emb, nrc_emb, pos_emb, W_wo)
    tid = _fold_stage(type_emb, major_emb, minor_emb, nrc_emb, pos_emb,
                      W_id[D:])
    tpr = _fold_stage(type_emb, major_emb, minor_emb, nrc_emb, pos_emb,
                      W_prim[64:])
    tmo = _fold_stage(type_emb, major_emb, minor_emb, nrc_emb, pos_emb,
                      W_mod[64:])
    stk = [jnp.stack([tid[j], tpr[j], tmo[j]]) for j in range(5)]
    ft_stk = jnp.stack([jnp.zeros((16, D), _f32),
                        _fold(prim_emb, W_prim[0:64]),
                        _fold(mod_emb, W_mod[0:64])])
    b_stk = jnp.stack([b_id.reshape(1, D), b_prim.reshape(1, D),
                       b_mod.reshape(1, D)])
    w_ida = W_id[0:D]

    full = lambda s: pl.BlockSpec(s, lambda i: (0,) * len(s))
    combined0 = pl.pallas_call(
        _base_body,
        grid=(N // TILE,),
        in_specs=[
            pl.BlockSpec((TILE, 1), lambda i: (i, 0)),
            pl.BlockSpec((TILE, 1), lambda i: (i, 0)),
            full((200, D)), full((32, D)), full((64, D)), full((32, D)),
            full((64, D)), full((1, D)),
        ],
        out_specs=pl.BlockSpec((TILE, D), lambda i: (i + P // TILE, 0)),
        out_shape=jax.ShapeDtypeStruct((C, D), _f32),
    )(w0.reshape(N, 1), w1.reshape(N, 1), *tw, b_wo.reshape(1, D))

    w0_leaf, w1_leaf, idrows, src = _fused_call(
        w0, w1, leaf_nodes, identifiers_encodings,
        ii(id_leaf_identifier_idx))

    nid = P_ID // TILE
    r_of = lambda i: jnp.where(i < nid, 0,
                               jnp.where(i < nid + P_PT // TILE, 1, 2))
    combined = pl.pallas_call(
        _leaf_body,
        grid=(P // TILE,),
        in_specs=[
            pl.BlockSpec(memory_space=pl.ANY),
            pl.BlockSpec((TILE, 1), lambda i: (i, 0)),
            pl.BlockSpec((TILE, 1), lambda i: (i, 0)),
            pl.BlockSpec((TILE, D), lambda i: (jnp.minimum(i, nid - 1), 0)),
            pl.BlockSpec((TILE, 1),
                         lambda i: (jnp.clip(i - nid, 0, nid - 1), 0)),
            full((D, D)),
            pl.BlockSpec((1, 200, D), lambda i: (r_of(i), 0, 0)),
            pl.BlockSpec((1, 32, D), lambda i: (r_of(i), 0, 0)),
            pl.BlockSpec((1, 64, D), lambda i: (r_of(i), 0, 0)),
            pl.BlockSpec((1, 32, D), lambda i: (r_of(i), 0, 0)),
            pl.BlockSpec((1, 64, D), lambda i: (r_of(i), 0, 0)),
            pl.BlockSpec((1, 16, D), lambda i: (r_of(i), 0, 0)),
            pl.BlockSpec((1, 1, D), lambda i: (r_of(i), 0, 0)),
        ],
        out_specs=pl.BlockSpec((TILE, D), lambda i: (i, 0)),
        out_shape=jax.ShapeDtypeStruct((C, D), _f32),
        input_output_aliases={0: 0},
    )(combined0, w0_leaf.reshape(P, 1), w1_leaf.reshape(P, 1), idrows,
      featpm, w_ida, *stk, ft_stk, b_stk)

    return _emit_call(src, combined)

# --- scband reference (transcript-rebuilt; emitter-appended) ---
"""Pipeline reference for scband-astnodes-embedder-43181601194907 (READ-ONLY COPY).

The authoritative reference and input builder live on the scoring server;
editing this copy changes nothing except your own understanding.
"""

import jax, jax.numpy as jnp
import numpy as np

N = 262144
N_ID = 65536
N_PT = 32768
N_MOD = 32768
N_IDENT = 50000
D = 128
D_MAJ = 85
D_MIN = 43
D_CH = 32
D_WO = D + 2 * D_CH
D_PRIM = 64
D_MODI = 64
V_TYPE = 200
V_MAJ = 30
V_MIN = 60
V_NRC = 32
V_POS = 64
V_PRIM = 16
V_MODI = 16
PAD = 0


def _emb(k, v, d):
    t = jax.random.normal(k, (v, d), dtype=jnp.float32) * 0.02
    return t.at[PAD].set(0.0)


def setup_inputs(seed: int = 0):
    key = jax.random.key(seed)
    ks = jax.random.split(key, 32)
    inp = {}
    inp["ast_node_types"] = jax.random.randint(ks[0], (N,), 0, V_TYPE)
    inp["ast_node_major_types"] = jax.random.randint(ks[1], (N,), 0, V_MAJ)
    inp["ast_node_minor_types"] = jax.random.randint(ks[2], (N,), 0, V_MIN)
    inp["ast_node_nr_children"] = jax.random.randint(ks[3], (N,), 0, V_NRC)
    inp["ast_node_child_ltr_position"] = jax.random.randint(ks[4], (N,), 0, V_POS)
    inp["ast_node_child_rtl_position"] = jax.random.randint(ks[5], (N,), 0, V_POS)
    inp["id_leaf_node_indices"] = jax.random.randint(ks[6], (N_ID,), 0, N)
    inp["id_leaf_identifier_idx"] = jax.random.randint(ks[7], (N_ID,), 0, N_IDENT)
    inp["prim_leaf_node_indices"] = jax.random.randint(ks[8], (N_PT,), 0, N)
    inp["prim_leaf_primitive_type"] = jax.random.randint(ks[9], (N_PT,), 0, V_PRIM)
    inp["mod_leaf_node_indices"] = jax.random.randint(ks[10], (N_MOD,), 0, N)
    inp["mod_leaf_modifier"] = jax.random.randint(ks[11], (N_MOD,), 0, V_MODI)
    inp["identifiers_encodings"] = jax.random.normal(ks[12], (N_IDENT, D), dtype=jnp.float32)
    inp["type_emb"] = _emb(ks[13], V_TYPE, D)
    inp["major_emb"] = _emb(ks[14], V_MAJ, D_MAJ)
    inp["minor_emb"] = _emb(ks[15], V_MIN, D_MIN)
    inp["nrc_emb"] = _emb(ks[16], V_NRC, D_CH)
    inp["pos_emb"] = _emb(ks[17], V_POS, D_CH)
    inp["prim_emb"] = _emb(ks[18], V_PRIM, D_PRIM)
    inp["mod_emb"] = _emb(ks[19], V_MODI, D_MODI)
    inp["W_id"] = jax.random.normal(ks[20], (D + D_WO, D), dtype=jnp.float32) * 0.02
    inp["b_id"] = jnp.zeros((D,), dtype=jnp.float32)
    inp["W_prim"] = jax.random.normal(ks[21], (D_PRIM + D_WO, D), dtype=jnp.float32) * 0.02
    inp["b_prim"] = jnp.zeros((D,), dtype=jnp.float32)
    inp["W_mod"] = jax.random.normal(ks[22], (D_MODI + D_WO, D), dtype=jnp.float32) * 0.02
    inp["b_mod"] = jnp.zeros((D,), dtype=jnp.float32)
    inp["W_wo"] = jax.random.normal(ks[23], (D_WO, D), dtype=jnp.float32) * 0.02
    inp["b_wo"] = jnp.zeros((D,), dtype=jnp.float32)
    return inp


def reference(ast_node_types, ast_node_major_types, ast_node_minor_types, ast_node_nr_children, ast_node_child_ltr_position, ast_node_child_rtl_position, id_leaf_node_indices, id_leaf_identifier_idx, prim_leaf_node_indices, prim_leaf_primitive_type, mod_leaf_node_indices, mod_leaf_modifier, identifiers_encodings, type_emb, major_emb, minor_emb, nrc_emb, pos_emb, prim_emb, mod_emb, W_id, b_id, W_prim, b_prim, W_mod, b_mod, W_wo, b_wo):
    types_e = jnp.take(type_emb, ast_node_types, axis=0)
    major_e = jnp.take(major_emb, ast_node_major_types, axis=0)
    minor_e = jnp.take(minor_emb, ast_node_minor_types, axis=0)
    major_minor = jnp.concatenate([major_e, minor_e], axis=-1)
    types_e = jnp.where((ast_node_minor_types == PAD)[:, None], types_e, major_minor)
    nrc_e = jnp.take(nrc_emb, ast_node_nr_children, axis=0)
    pos_e = jnp.take(pos_emb, ast_node_child_ltr_position, axis=0) + jnp.take(pos_emb, ast_node_child_rtl_position, axis=0)
    wo_ipm = jnp.concatenate([types_e, nrc_e, pos_e], axis=-1)
    base = jax.nn.relu(wo_ipm @ W_wo + b_wo)
    id_enc = jnp.take(identifiers_encodings, id_leaf_identifier_idx, axis=0)
    id_nodes = jax.nn.relu(jnp.concatenate([id_enc, jnp.take(wo_ipm, id_leaf_node_indices, axis=0)], axis=-1) @ W_id + b_id)
    prim_e = jnp.take(prim_emb, prim_leaf_primitive_type, axis=0)
    prim_nodes = jax.nn.relu(jnp.concatenate([prim_e, jnp.take(wo_ipm, prim_leaf_node_indices, axis=0)], axis=-1) @ W_prim + b_prim)
    mod_e = jnp.take(mod_emb, mod_leaf_modifier, axis=0)
    mod_nodes = jax.nn.relu(jnp.concatenate([mod_e, jnp.take(wo_ipm, mod_leaf_node_indices, axis=0)], axis=-1) @ W_mod + b_mod)
    out = base.at[id_leaf_node_indices].set(id_nodes)
    out = out.at[prim_leaf_node_indices].set(prim_nodes)
    out = out.at[mod_leaf_node_indices].set(mod_nodes)
    return out

if __name__ == "__main__":
    import jax
    _d = setup_inputs()
    print(jax.jit(kernel)(*tuple(_d.values())))

</pallas_src>

<mosaic_0001>
#map = affine_map<(d0, d1) -> (0)>
#map1 = affine_map<(d0, d1) -> (0, 0)>
module attributes {stable_mosaic.version = 14 : i64} {
  func.func @_sc_fused(%arg0: i32, %arg1: i32, %arg2: memref<262144xi32, #tpu.memory_space<hbm>>, %arg3: memref<262144xi32, #tpu.memory_space<hbm>>, %arg4: memref<131072xi32, #tpu.memory_space<hbm>>, %arg5: memref<50000x128xf32, #tpu.memory_space<hbm>>, %arg6: memref<65536xi32, #tpu.memory_space<hbm>>, %arg7: memref<131072xi32, #tpu.memory_space<hbm>>, %arg8: memref<131072xi32, #tpu.memory_space<hbm>>, %arg9: memref<65536x128xf32, #tpu.memory_space<hbm>>, %arg10: memref<262144xi32, #tpu.memory_space<hbm>>, %arg11: memref<8192xi32, #tpu.memory_space<vmem>>, %arg12: memref<4096xi32, #tpu.memory_space<vmem>>, %arg13: memref<8192xi32, #tpu.memory_space<vmem>>, %arg14: memref<8192xi32, #tpu.memory_space<vmem>>, %arg15: memref<512x128xf32, #tpu.memory_space<vmem>>, %arg16: memref<16384xi32, #tpu.memory_space<vmem>>, %arg17: memref<4096xi32, #tpu.memory_space<vmem>>, %arg18: memref<2048xi32, #tpu.memory_space<vmem>>, %arg19: memref<16xi32, #tpu.memory_space<vmem>>, %arg20: memref<!tpu.dma_semaphore, #tpu.memory_space<semaphore_mem>>) attributes {dimension_semantics = [#tpu.dimension_semantics<core_parallel>, #tpu.dimension_semantics<subcore_parallel>], iteration_bounds = array<i64: 2, 16>, scalar_prefetch = 0 : i64, scratch_operands = 10 : i64, tpu.core_type = #tpu.core_type<sc_vector_subcore>, window_params = [{transform_indices = #map}, {transform_indices = #map}, {transform_indices = #map}, {transform_indices = #map1}, {transform_indices = #map}, {transform_indices = #map}, {transform_indices = #map}, {transform_indices = #map1}, {transform_indices = #map}]} {
    %mul3A = arith.constant 2 : i32
    %mul3A_0 = arith.muli %arg1, %mul3A : i32
    %add3A = arith.addi %mul3A_0, %arg0 : i32
    %iota3A = tpu.iota {dimensions = array<i32: 0>} : vector<16xi32>
    %add3A_1 = arith.constant 1 : i32
    %add3A_2 = vector.broadcast %add3A_1 : i32 to vector<16xi32>
    %add3A_3 = arith.addi %iota3A, %add3A_2 : vector<16xi32>
    %min3A = arith.constant 15 : i32
    %min3A_4 = vector.broadcast %min3A : i32 to vector<16xi32>
    %min3A_5 = arith.minsi %add3A_3, %min3A_4 : vector<16xi32>
    %lt3A = arith.constant 16 : i32
    %lt3A_6 = arith.cmpi slt, %add3A, %lt3A : i32
    %convert_element_type3A = arith.extui %lt3A_6 : i1 to i32
    %cond3A = arith.constant 0 : i32
    %cond3A_7 = arith.cmpi ne, %convert_element_type3A, %cond3A : i32
    scf.if %cond3A_7 {
      %mul3A_12 = arith.constant 8192 : i32
      %mul3A_13 = arith.muli %add3A, %mul3A_12 : i32
      "tpu.region"() ({
        %run_scoped3A = tpu.sem_alloc : memref<!tpu.dma_semaphore, #tpu.memory_space<semaphore_mem>>
        %dma_start3A = tpu.memref_slice %arg4[%mul3A_13] : memref<131072xi32, #tpu.memory_space<hbm>> -> memref<8192xi32, #tpu.memory_space<hbm>>
        %dma_start3A_94 = tpu.memref_slice %arg4[%mul3A_13] : memref<131072xi32, #tpu.memory_space<hbm>> -> memref<8192xi32, #tpu.memory_space<hbm>>
        tpu.enqueue_dma source(%dma_start3A_94 : memref<8192xi32, #tpu.memory_space<hbm>>) target(%arg11 : memref<8192xi32, #tpu.memory_space<vmem>>) target_semaphore(%run_scoped3A : memref<!tpu.dma_semaphore, #tpu.memory_space<semaphore_mem>>)
        %dma_wait3A = tpu.memref_slice %arg4[%mul3A_13] : memref<131072xi32, #tpu.memory_space<hbm>> -> memref<8192xi32, #tpu.memory_space<hbm>>
        %dma_wait3A_95 = tpu.memref_slice %arg4[%mul3A_13] : memref<131072xi32, #tpu.memory_space<hbm>> -> memref<8192xi32, #tpu.memory_space<hbm>>
        tpu.wait_dma2 semaphore(%run_scoped3A : memref<!tpu.dma_semaphore, #tpu.memory_space<semaphore_mem>>) src(%dma_wait3A_95 : memref<8192xi32, #tpu.memory_space<hbm>>) dst(%arg11 : memref<8192xi32, #tpu.memory_space<vmem>>)
        tpu.yield
      }) : () -> ()
      %scan3A = arith.constant 0 : i32
      %scan3A_14 = arith.constant 0 : i32
      %scan3A_15 = arith.constant 64 : i32
      %scan3A_16 = arith.addi %scan3A_14, %scan3A_15 : i32
      %scan3A_17 = arith.constant 1 : i32
      %scan3A_18 = scf.for %scan3A_94 = %scan3A_14 to %scan3A_16 step %scan3A_17 iter_args(%scan3A_95 = %scan3A) -> (i32)  : i32 {
        %mul3A_96 = arith.constant 128 : i32
        %mul3A_97 = arith.muli %scan3A_94, %mul3A_96 : i32
        %dma_start3A = tpu.memref_slice %arg13[%mul3A_97] : memref<8192xi32, #tpu.memory_space<vmem>> -> memref<128xi32, #tpu.memory_space<vmem>>
        %dma_start3A_98 = tpu.memref_slice %arg11[%mul3A_97] : memref<8192xi32, #tpu.memory_space<vmem>> -> memref<128xi32, #tpu.memory_space<vmem>>
        %dma_start3A_99 = arith.constant 0 : i32
        %dma_start3A_100 = tpu.memref_slice %arg2[%dma_start3A_99] : memref<262144xi32, #tpu.memory_space<hbm>> -> memref<262144xi32, #tpu.memory_space<hbm>>
        tpu.enqueue_indirect_dma source(%dma_start3A_100 : memref<262144xi32, #tpu.memory_space<hbm>>) target(%dma_start3A : memref<128xi32, #tpu.memory_space<vmem>>) offsets(%dma_start3A_98 : memref<128xi32, #tpu.memory_space<vmem>>) semaphore(%arg20 : memref<!tpu.dma_semaphore, #tpu.memory_space<semaphore_mem>>)
        %dma_wait3A = tpu.memref_slice %arg13[%mul3A_97] : memref<8192xi32, #tpu.memory_space<vmem>> -> memref<128xi32, #tpu.memory_space<vmem>>
        %dma_wait3A_101 = tpu.memref_slice %arg11[%mul3A_97] : memref<8192xi32, #tpu.memory_space<vmem>> -> memref<128xi32, #tpu.memory_space<vmem>>
        %dma_wait3A_102 = arith.constant 0 : i32
        %dma_wait3A_103 = tpu.memref_slice %arg2[%dma_wait3A_102] : memref<262144xi32, #tpu.memory_space<hbm>> -> memref<262144xi32, #tpu.memory_space<hbm>>
        tpu.wait_indirect_dma semaphore(%arg20 : memref<!tpu.dma_semaphore, #tpu.memory_space<semaphore_mem>>) src(%dma_wait3A_103 : memref<262144xi32, #tpu.memory_space<hbm>>) dst(%dma_wait3A : memref<128xi32, #tpu.memory_space<vmem>>)
        %dma_start3A_104 = tpu.memref_slice %arg14[%mul3A_97] : memref<8192xi32, #tpu.memory_space<vmem>> -> memref<128xi32, #tpu.memory_space<vmem>>
        %dma_start3A_105 = tpu.memref_slice %arg11[%mul3A_97] : memref<8192xi32, #tpu.memory_space<vmem>> -> memref<128xi32, #tpu.memory_space<vmem>>
        %dma_start3A_106 = arith.constant 0 : i32
        %dma_start3A_107 = tpu.memref_slice %arg3[%dma_start3A_106] : memref<262144xi32, #tpu.memory_space<hbm>> -> memref<262144xi32, #tpu.memory_space<hbm>>
        tpu.enqueue_indirect_dma source(%dma_start3A_107 : memref<262144xi32, #tpu.memory_space<hbm>>) target(%dma_start3A_104 : memref<128xi32, #tpu.memory_space<vmem>>) offsets(%dma_start3A_105 : memref<128xi32, #tpu.memory_space<vmem>>) semaphore(%arg20 : memref<!tpu.dma_semaphore, #tpu.memory_space<semaphore_mem>>)
        %dma_wait3A_108 = tpu.memref_slice %arg14[%mul3A_97] : memref<8192xi32, #tpu.memory_space<vmem>> -> memref<128xi32, #tpu.memory_space<vmem>>
        %dma_wait3A_109 = tpu.memref_slice %arg11[%mul3A_97] : memref<8192xi32, #tpu.memory_space<vmem>> -> memref<128xi32, #tpu.memory_space<vmem>>
        %dma_wait3A_110 = arith.constant 0 : i32
        %dma_wait3A_111 = tpu.memref_slice %arg3[%dma_wait3A_110] : memref<262144xi32, #tpu.memory_space<hbm>> -> memref<262144xi32, #tpu.memory_space<hbm>>
        tpu.wait_indirect_dma semaphore(%arg20 : memref<!tpu.dma_semaphore, #tpu.memory_space<semaphore_mem>>) src(%dma_wait3A_111 : memref<262144xi32, #tpu.memory_space<hbm>>) dst(%dma_wait3A_108 : memref<128xi32, #tpu.memory_space<vmem>>)
        %scan3A_112 = arith.constant 0 : i32
        scf.yield %scan3A_112 : i32
      }
      %scan3A_19 = arith.constant 64 : i32
      "tpu.region"() ({
        %run_scoped3A = tpu.sem_alloc : memref<!tpu.dma_semaphore, #tpu.memory_space<semaphore_mem>>
        %dma_start3A = tpu.memref_slice %arg7[%mul3A_13] : memref<131072xi32, #tpu.memory_space<hbm>> -> memref<8192xi32, #tpu.memory_space<hbm>>
        %dma_start3A_94 = tpu.memref_slice %arg7[%mul3A_13] : memref<131072xi32, #tpu.memory_space<hbm>> -> memref<8192xi32, #tpu.memory_space<hbm>>
        tpu.enqueue_dma source(%arg13 : memref<8192xi32, #tpu.memory_space<vmem>>) target(%dma_start3A_94 : memref<8192xi32, #tpu.memory_space<hbm>>) target_semaphore(%run_scoped3A : memref<!tpu.dma_semaphore, #tpu.memory_space<semaphore_mem>>)
        %dma_wait3A = tpu.memref_slice %arg7[%mul3A_13] : memref<131072xi32, #tpu.memory_space<hbm>> -> memref<8192xi32, #tpu.memory_space<hbm>>
        %dma_wait3A_95 = tpu.memref_slice %arg7[%mul3A_13] : memref<131072xi32, #tpu.memory_space<hbm>> -> memref<8192xi32, #tpu.memory_space<hbm>>
        tpu.wait_dma2 semaphore(%run_scoped3A : memref<!tpu.dma_semaphore, #tpu.memory_space<semaphore_mem>>) src(%arg13 : memref<8192xi32, #tpu.memory_space<vmem>>) dst(%dma_wait3A_95 : memref<8192xi32, #tpu.memory_space<hbm>>)
        tpu.yield
      }) : () -> ()
      "tpu.region"() ({
        %run_scoped3A = tpu.sem_alloc : memref<!tpu.dma_semaphore, #tpu.memory_space<semaphore_mem>>
        %dma_start3A = tpu.memref_slice %arg8[%mul3A_13] : memref<131072xi32, #tpu.memory_space<hbm>> -> memref<8192xi32, #tpu.memory_space<hbm>>
        %dma_start3A_94 = tpu.memref_slice %arg8[%mul3A_13] : memref<131072xi32, #tpu.memory_space<hbm>> -> memref<8192xi32, #tpu.memory_space<hbm>>
        tpu.enqueue_dma source(%arg14 : memref<8192xi32, #tpu.memory_space<vmem>>) target(%dma_start3A_94 : memref<8192xi32, #tpu.memory_space<hbm>>) target_semaphore(%run_scoped3A : memref<!tpu.dma_semaphore, #tpu.memory_space<semaphore_mem>>)
        %dma_wait3A = tpu.memref_slice %arg8[%mul3A_13] : memref<131072xi32, #tpu.memory_space<hbm>> -> memref<8192xi32, #tpu.memory_space<hbm>>
        %dma_wait3A_95 = tpu.memref_slice %arg8[%mul3A_13] : memref<131072xi32, #tpu.memory_space<hbm>> -> memref<8192xi32, #tpu.memory_space<hbm>>
        tpu.wait_dma2 semaphore(%run_scoped3A : memref<!tpu.dma_semaphore, #tpu.memory_space<semaphore_mem>>) src(%arg14 : memref<8192xi32, #tpu.memory_space<vmem>>) dst(%dma_wait3A_95 : memref<8192xi32, #tpu.memory_space<hbm>>)
        tpu.yield
      }) : () -> ()
      %mul3A_20 = arith.constant 4096 : i32
      %mul3A_21 = arith.muli %add3A, %mul3A_20 : i32
      "tpu.region"() ({
        %run_scoped3A = tpu.sem_alloc : memref<!tpu.dma_semaphore, #tpu.memory_space<semaphore_mem>>
        %dma_start3A = tpu.memref_slice %arg6[%mul3A_21] : memref<65536xi32, #tpu.memory_space<hbm>> -> memref<4096xi32, #tpu.memory_space<hbm>>
        %dma_start3A_94 = tpu.memref_slice %arg6[%mul3A_21] : memref<65536xi32, #tpu.memory_space<hbm>> -> memref<4096xi32, #tpu.memory_space<hbm>>
        tpu.enqueue_dma source(%dma_start3A_94 : memref<4096xi32, #tpu.memory_space<hbm>>) target(%arg12 : memref<4096xi32, #tpu.memory_space<vmem>>) target_semaphore(%run_scoped3A : memref<!tpu.dma_semaphore, #tpu.memory_space<semaphore_mem>>)
        %dma_wait3A = tpu.memref_slice %arg6[%mul3A_21] : memref<65536xi32, #tpu.memory_space<hbm>> -> memref<4096xi32, #tpu.memory_space<hbm>>
        %dma_wait3A_95 = tpu.memref_slice %arg6[%mul3A_21] : memref<65536xi32, #tpu.memory_space<hbm>> -> memref<4096xi32, #tpu.memory_space<hbm>>
        tpu.wait_dma2 semaphore(%run_scoped3A : memref<!tpu.dma_semaphore, #tpu.memory_space<semaphore_mem>>) src(%dma_wait3A_95 : memref<4096xi32, #tpu.memory_space<hbm>>) dst(%arg12 : memref<4096xi32, #tpu.memory_space<vmem>>)
        tpu.yield
      }) : () -> ()
      %scan3A_22 = arith.constant 0 : i32
      %scan3A_23 = arith.constant 0 : i32
      %scan3A_24 = arith.constant 4 : i32
      %scan3A_25 = arith.addi %scan3A_23, %scan3A_24 : i32
      %scan3A_26 = arith.constant 1 : i32
      %scan3A_27 = scf.for %scan3A_94 = %scan3A_23 to %scan3A_25 step %scan3A_26 iter_args(%scan3A_95 = %scan3A_22) -> (i32)  : i32 {
        %mul3A_96 = arith.constant 128 : i32
        %mul3A_97 = arith.muli %scan3A_94, %mul3A_96 : i32
        %add3A_98 = arith.constant 0 : i32
        %add3A_99 = arith.addi %add3A_98, %mul3A_97 : i32
        %mul3A_100 = arith.constant 128 : i32
        %mul3A_101 = arith.muli %scan3A_94, %mul3A_100 : i32
        %dma_start3A = arith.constant 0 : i32
        %dma_start3A_102 = tpu.memref_slice %arg15[%mul3A_101, %dma_start3A] : memref<512x128xf32, #tpu.memory_space<vmem>> -> memref<128x128xf32, #tpu.memory_space<vmem>>
        %dma_start3A_103 = tpu.memref_slice %arg12[%add3A_99] : memref<4096xi32, #tpu.memory_space<vmem>> -> memref<128xi32, #tpu.memory_space<vmem>>
        %dma_start3A_104 = arith.constant 0 : i32
        %dma_start3A_105 = arith.constant 0 : i32
        %dma_start3A_106 = tpu.memref_slice %arg5[%dma_start3A_104, %dma_start3A_105] : memref<50000x128xf32, #tpu.memory_space<hbm>> -> memref<50000x128xf32, #tpu.memory_space<hbm>>
        tpu.enqueue_indirect_dma source(%dma_start3A_106 : memref<50000x128xf32, #tpu.memory_space<hbm>>) target(%dma_start3A_102 : memref<128x128xf32, #tpu.memory_space<vmem>>) offsets(%dma_start3A_103 : memref<128xi32, #tpu.memory_space<vmem>>) semaphore(%arg20 : memref<!tpu.dma_semaphore, #tpu.memory_space<semaphore_mem>>)
        %dma_wait3A = arith.constant 0 : i32
        %dma_wait3A_107 = tpu.memref_slice %arg15[%mul3A_101, %dma_wait3A] : memref<512x128xf32, #tpu.memory_space<vmem>> -> memref<128x128xf32, #tpu.memory_space<vmem>>
        %dma_wait3A_108 = tpu.memref_slice %arg12[%add3A_99] : memref<4096xi32, #tpu.memory_space<vmem>> -> memref<128xi32, #tpu.memory_space<vmem>>
        %dma_wait3A_109 = arith.constant 0 : i32
        %dma_wait3A_110 = arith.constant 0 : i32
        %dma_wait3A_111 = tpu.memref_slice %arg5[%dma_wait3A_109, %dma_wait3A_110] : memref<50000x128xf32, #tpu.memory_space<hbm>> -> memref<50000x128xf32, #tpu.memory_space<hbm>>
        tpu.wait_indirect_dma semaphore(%arg20 : memref<!tpu.dma_semaphore, #tpu.memory_space<semaphore_mem>>) src(%dma_wait3A_111 : memref<50000x128xf32, #tpu.memory_space<hbm>>) dst(%dma_wait3A_107 : memref<128x128xf32, #tpu.memory_space<vmem>>)
        %scan3A_112 = arith.constant 0 : i32
        scf.yield %scan3A_112 : i32
      }
      %scan3A_28 = arith.constant 4 : i32
      %add3A_29 = arith.constant 0 : i32
      %add3A_30 = arith.addi %mul3A_21, %add3A_29 : i32
      "tpu.region"() ({
        %run_scoped3A = tpu.sem_alloc : memref<!tpu.dma_semaphore, #tpu.memory_space<semaphore_mem>>
        %dma_start3A = arith.constant 0 : i32
        %dma_start3A_94 = tpu.memref_slice %arg9[%add3A_30, %dma_start3A] : memref<65536x128xf32, #tpu.memory_space<hbm>> -> memref<512x128xf32, #tpu.memory_space<hbm>>
        %dma_start3A_95 = arith.constant 0 : i32
        %dma_start3A_96 = tpu.memref_slice %arg9[%add3A_30, %dma_start3A_95] : memref<65536x128xf32, #tpu.memory_space<hbm>> -> memref<512x128xf32, #tpu.memory_space<hbm>>
        tpu.enqueue_dma source(%arg15 : memref<512x128xf32, #tpu.memory_space<vmem>>) target(%dma_start3A_96 : memref<512x128xf32, #tpu.memory_space<hbm>>) target_semaphore(%run_scoped3A : memref<!tpu.dma_semaphore, #tpu.memory_space<semaphore_mem>>)
        %dma_wait3A = arith.constant 0 : i32
        %dma_wait3A_97 = tpu.memref_slice %arg9[%add3A_30, %dma_wait3A] : memref<65536x128xf32, #tpu.memory_space<hbm>> -> memref<512x128xf32, #tpu.memory_space<hbm>>
        %dma_wait3A_98 = arith.constant 0 : i32
        %dma_wait3A_99 = tpu.memref_slice %arg9[%add3A_30, %dma_wait3A_98] : memref<65536x128xf32, #tpu.memory_space<hbm>> -> memref<512x128xf32, #tpu.memory_space<hbm>>
        tpu.wait_dma2 semaphore(%run_scoped3A : memref<!tpu.dma_semaphore, #tpu.memory_space<semaphore_mem>>) src(%arg15 : memref<512x128xf32, #tpu.memory_space<vmem>>) dst(%dma_wait3A_99 : memref<512x128xf32, #tpu.memory_space<hbm>>)
        tpu.yield
      }) : () -> ()
      %scan3A_31 = arith.constant 0 : i32
      %scan3A_32 = arith.constant 0 : i32
      %scan3A_33 = arith.constant 4 : i32
      %scan3A_34 = arith.addi %scan3A_32, %scan3A_33 : i32
      %scan3A_35 = arith.constant 1 : i32
      %scan3A_36 = scf.for %scan3A_94 = %scan3A_32 to %scan3A_34 step %scan3A_35 iter_args(%scan3A_95 = %scan3A_31) -> (i32)  : i32 {
        %mul3A_96 = arith.constant 128 : i32
        %mul3A_97 = arith.muli %scan3A_94, %mul3A_96 : i32
        %add3A_98 = arith.constant 512 : i32
        %add3A_99 = arith.addi %add3A_98, %mul3A_97 : i32
        %mul3A_100 = arith.constant 128 : i32
        %mul3A_101 = arith.muli %scan3A_94, %mul3A_100 : i32
        %dma_start3A = arith.constant 0 : i32
        %dma_start3A_102 = tpu.memref_slice %arg15[%mul3A_101, %dma_start3A] : memref<512x128xf32, #tpu.memory_space<vmem>> -> memref<128x128xf32, #tpu.memory_space<vmem>>
        %dma_start3A_103 = tpu.memref_slice %arg12[%add3A_99] : memref<4096xi32, #tpu.memory_space<vmem>> -> memref<128xi32, #tpu.memory_space<vmem>>
        %dma_start3A_104 = arith.constant 0 : i32
        %dma_start3A_105 = arith.constant 0 : i32
        %dma_start3A_106 = tpu.memref_slice %arg5[%dma_start3A_104, %dma_start3A_105] : memref<50000x128xf32, #tpu.memory_space<hbm>> -> memref<50000x128xf32, #tpu.memory_space<hbm>>
        tpu.enqueue_indirect_dma source(%dma_start3A_106 : memref<50000x128xf32, #tpu.memory_space<hbm>>) target(%dma_start3A_102 : memref<128x128xf32, #tpu.memory_space<vmem>>) offsets(%dma_start3A_103 : memref<128xi32, #tpu.memory_space<vmem>>) semaphore(%arg20 : memref<!tpu.dma_semaphore, #tpu.memory_space<semaphore_mem>>)
        %dma_wait3A = arith.constant 0 : i32
        %dma_wait3A_107 = tpu.memref_slice %arg15[%mul3A_101, %dma_wait3A] : memref<512x128xf32, #tpu.memory_space<vmem>> -> memref<128x128xf32, #tpu.memory_space<vmem>>
        %dma_wait3A_108 = tpu.memref_slice %arg12[%add3A_99] : memref<4096xi32, #tpu.memory_space<vmem>> -> memref<128xi32, #tpu.memory_space<vmem>>
        %dma_wait3A_109 = arith.constant 0 : i32
        %dma_wait3A_110 = arith.constant 0 : i32
        %dma_wait3A_111 = tpu.memref_slice %arg5[%dma_wait3A_109, %dma_wait3A_110] : memref<50000x128xf32, #tpu.memory_space<hbm>> -> memref<50000x128xf32, #tpu.memory_space<hbm>>
        tpu.wait_indirect_dma semaphore(%arg20 : memref<!tpu.dma_semaphore, #tpu.memory_space<semaphore_mem>>) src(%dma_wait3A_111 : memref<50000x128xf32, #tpu.memory_space<hbm>>) dst(%dma_wait3A_107 : memref<128x128xf32, #tpu.memory_space<vmem>>)
        %scan3A_112 = arith.constant 0 : i32
        scf.yield %scan3A_112 : i32
      }
      %scan3A_37 = arith.constant 4 : i32
      %add3A_38 = arith.constant 512 : i32
      %add3A_39 = arith.addi %mul3A_21, %add3A_38 : i32
      "tpu.region"() ({
        %run_scoped3A = tpu.sem_alloc : memref<!tpu.dma_semaphore, #tpu.memory_space<semaphore_mem>>
        %dma_start3A = arith.constant 0 : i32
        %dma_start3A_94 = tpu.memref_slice %arg9[%add3A_39, %dma_start3A] : memref<65536x128xf32, #tpu.memory_space<hbm>> -> memref<512x128xf32, #tpu.memory_space<hbm>>
        %dma_start3A_95 = arith.constant 0 : i32
        %dma_start3A_96 = tpu.memref_slice %arg9[%add3A_39, %dma_start3A_95] : memref<65536x128xf32, #tpu.memory_space<hbm>> -> memref<512x128xf32, #tpu.memory_space<hbm>>
        tpu.enqueue_dma source(%arg15 : memref<512x128xf32, #tpu.memory_space<vmem>>) target(%dma_start3A_96 : memref<512x128xf32, #tpu.memory_space<hbm>>) target_semaphore(%run_scoped3A : memref<!tpu.dma_semaphore, #tpu.memory_space<semaphore_mem>>)
        %dma_wait3A = arith.constant 0 : i32
        %dma_wait3A_97 = tpu.memref_slice %arg9[%add3A_39, %dma_wait3A] : memref<65536x128xf32, #tpu.memory_space<hbm>> -> memref<512x128xf32, #tpu.memory_space<hbm>>
        %dma_wait3A_98 = arith.constant 0 : i32
        %dma_wait3A_99 = tpu.memref_slice %arg9[%add3A_39, %dma_wait3A_98] : memref<65536x128xf32, #tpu.memory_space<hbm>> -> memref<512x128xf32, #tpu.memory_space<hbm>>
        tpu.wait_dma2 semaphore(%run_scoped3A : memref<!tpu.dma_semaphore, #tpu.memory_space<semaphore_mem>>) src(%arg15 : memref<512x128xf32, #tpu.memory_space<vmem>>) dst(%dma_wait3A_99 : memref<512x128xf32, #tpu.memory_space<hbm>>)
        tpu.yield
      }) : () -> ()
      %scan3A_40 = arith.constant 0 : i32
      %scan3A_41 = arith.constant 0 : i32
      %scan3A_42 = arith.constant 4 : i32
      %scan3A_43 = arith.addi %scan3A_41, %scan3A_42 : i32
      %scan3A_44 = arith.constant 1 : i32
      %scan3A_45 = scf.for %scan3A_94 = %scan3A_41 to %scan3A_43 step %scan3A_44 iter_args(%scan3A_95 = %scan3A_40) -> (i32)  : i32 {
        %mul3A_96 = arith.constant 128 : i32
        %mul3A_97 = arith.muli %scan3A_94, %mul3A_96 : i32
        %add3A_98 = arith.constant 1024 : i32
        %add3A_99 = arith.addi %add3A_98, %mul3A_97 : i32
        %mul3A_100 = arith.constant 128 : i32
        %mul3A_101 = arith.muli %scan3A_94, %mul3A_100 : i32
        %dma_start3A = arith.constant 0 : i32
        %dma_start3A_102 = tpu.memref_slice %arg15[%mul3A_101, %dma_start3A] : memref<512x128xf32, #tpu.memory_space<vmem>> -> memref<128x128xf32, #tpu.memory_space<vmem>>
        %dma_start3A_103 = tpu.memref_slice %arg12[%add3A_99] : memref<4096xi32, #tpu.memory_space<vmem>> -> memref<128xi32, #tpu.memory_space<vmem>>
        %dma_start3A_104 = arith.constant 0 : i32
        %dma_start3A_105 = arith.constant 0 : i32
        %dma_start3A_106 = tpu.memref_slice %arg5[%dma_start3A_104, %dma_start3A_105] : memref<50000x128xf32, #tpu.memory_space<hbm>> -> memref<50000x128xf32, #tpu.memory_space<hbm>>
        tpu.enqueue_indirect_dma source(%dma_start3A_106 : memref<50000x128xf32, #tpu.memory_space<hbm>>) target(%dma_start3A_102 : memref<128x128xf32, #tpu.memory_space<vmem>>) offsets(%dma_start3A_103 : memref<128xi32, #tpu.memory_space<vmem>>) semaphore(%arg20 : memref<!tpu.dma_semaphore, #tpu.memory_space<semaphore_mem>>)
        %dma_wait3A = arith.constant 0 : i32
        %dma_wait3A_107 = tpu.memref_slice %arg15[%mul3A_101, %dma_wait3A] : memref<512x128xf32, #tpu.memory_space<vmem>> -> memref<128x128xf32, #tpu.memory_space<vmem>>
        %dma_wait3A_108 = tpu.memref_slice %arg12[%add3A_99] : memref<4096xi32, #tpu.memory_space<vmem>> -> memref<128xi32, #tpu.memory_space<vmem>>
        %dma_wait3A_109 = arith.constant 0 : i32
        %dma_wait3A_110 = arith.constant 0 : i32
        %dma_wait3A_111 = tpu.memref_slice %arg5[%dma_wait3A_109, %dma_wait3A_110] : memref<50000x128xf32, #tpu.memory_space<hbm>> -> memref<50000x128xf32, #tpu.memory_space<hbm>>
        tpu.wait_indirect_dma semaphore(%arg20 : memref<!tpu.dma_semaphore, #tpu.memory_space<semaphore_mem>>) src(%dma_wait3A_111 : memref<50000x128xf32, #tpu.memory_space<hbm>>) dst(%dma_wait3A_107 : memref<128x128xf32, #tpu.memory_space<vmem>>)
        %scan3A_112 = arith.constant 0 : i32
        scf.yield %scan3A_112 : i32
      }
      %scan3A_46 = arith.constant 4 : i32
      %add3A_47 = arith.constant 1024 : i32
      %add3A_48 = arith.addi %mul3A_21, %add3A_47 : i32
      "tpu.region"() ({
        %run_scoped3A = tpu.sem_alloc : memref<!tpu.dma_semaphore, #tpu.memory_space<semaphore_mem>>
        %dma_start3A = arith.constant 0 : i32
        %dma_start3A_94 = tpu.memref_slice %arg9[%add3A_48, %dma_start3A] : memref<65536x128xf32, #tpu.memory_space<hbm>> -> memref<512x128xf32, #tpu.memory_space<hbm>>
        %dma_start3A_95 = arith.constant 0 : i32
        %dma_start3A_96 = tpu.memref_slice %arg9[%add3A_48, %dma_start3A_95] : memref<65536x128xf32, #tpu.memory_space<hbm>> -> memref<512x128xf32, #tpu.memory_space<hbm>>
        tpu.enqueue_dma source(%arg15 : memref<512x128xf32, #tpu.memory_space<vmem>>) target(%dma_start3A_96 : memref<512x128xf32, #tpu.memory_space<hbm>>) target_semaphore(%run_scoped3A : memref<!tpu.dma_semaphore, #tpu.memory_space<semaphore_mem>>)
        %dma_wait3A = arith.constant 0 : i32
        %dma_wait3A_97 = tpu.memref_slice %arg9[%add3A_48, %dma_wait3A] : memref<65536x128xf32, #tpu.memory_space<hbm>> -> memref<512x128xf32, #tpu.memory_space<hbm>>
        %dma_wait3A_98 = arith.constant 0 : i32
        %dma_wait3A_99 = tpu.memref_slice %arg9[%add3A_48, %dma_wait3A_98] : memref<65536x128xf32, #tpu.memory_space<hbm>> -> memref<512x128xf32, #tpu.memory_space<hbm>>
        tpu.wait_dma2 semaphore(%run_scoped3A : memref<!tpu.dma_semaphore, #tpu.memory_space<semaphore_mem>>) src(%arg15 : memref<512x128xf32, #tpu.memory_space<vmem>>) dst(%dma_wait3A_99 : memref<512x128xf32, #tpu.memory_space<hbm>>)
        tpu.yield
      }) : () -> ()
      %scan3A_49 = arith.constant 0 : i32
      %scan3A_50 = arith.constant 0 : i32
      %scan3A_51 = arith.constant 4 : i32
      %scan3A_52 = arith.addi %scan3A_50, %scan3A_51 : i32
      %scan3A_53 = arith.constant 1 : i32
      %scan3A_54 = scf.for %scan3A_94 = %scan3A_50 to %scan3A_52 step %scan3A_53 iter_args(%scan3A_95 = %scan3A_49) -> (i32)  : i32 {
        %mul3A_96 = arith.constant 128 : i32
        %mul3A_97 = arith.muli %scan3A_94, %mul3A_96 : i32
        %add3A_98 = arith.constant 1536 : i32
        %add3A_99 = arith.addi %add3A_98, %mul3A_97 : i32
        %mul3A_100 = arith.constant 128 : i32
        %mul3A_101 = arith.muli %scan3A_94, %mul3A_100 : i32
        %dma_start3A = arith.constant 0 : i32
        %dma_start3A_102 = tpu.memref_slice %arg15[%mul3A_101, %dma_start3A] : memref<512x128xf32, #tpu.memory_space<vmem>> -> memref<128x128xf32, #tpu.memory_space<vmem>>
        %dma_start3A_103 = tpu.memref_slice %arg12[%add3A_99] : memref<4096xi32, #tpu.memory_space<vmem>> -> memref<128xi32, #tpu.memory_space<vmem>>
        %dma_start3A_104 = arith.constant 0 : i32
        %dma_start3A_105 = arith.constant 0 : i32
        %dma_start3A_106 = tpu.memref_slice %arg5[%dma_start3A_104, %dma_start3A_105] : memref<50000x128xf32, #tpu.memory_space<hbm>> -> memref<50000x128xf32, #tpu.memory_space<hbm>>
        tpu.enqueue_indirect_dma source(%dma_start3A_106 : memref<50000x128xf32, #tpu.memory_space<hbm>>) target(%dma_start3A_102 : memref<128x128xf32, #tpu.memory_space<vmem>>) offsets(%dma_start3A_103 : memref<128xi32, #tpu.memory_space<vmem>>) semaphore(%arg20 : memref<!tpu.dma_semaphore, #tpu.memory_space<semaphore_mem>>)
        %dma_wait3A = arith.constant 0 : i32
        %dma_wait3A_107 = tpu.memref_slice %arg15[%mul3A_101, %dma_wait3A] : memref<512x128xf32, #tpu.memory_space<vmem>> -> memref<128x128xf32, #tpu.memory_space<vmem>>
        %dma_wait3A_108 = tpu.memref_slice %arg12[%add3A_99] : memref<4096xi32, #tpu.memory_space<vmem>> -> memref<128xi32, #tpu.memory_space<vmem>>
        %dma_wait3A_109 = arith.constant 0 : i32
        %dma_wait3A_110 = arith.constant 0 : i32
        %dma_wait3A_111 = tpu.memref_slice %arg5[%dma_wait3A_109, %dma_wait3A_110] : memref<50000x128xf32, #tpu.memory_space<hbm>> -> memref<50000x128xf32, #tpu.memory_space<hbm>>
        tpu.wait_indirect_dma semaphore(%arg20 : memref<!tpu.dma_semaphore, #tpu.memory_space<semaphore_mem>>) src(%dma_wait3A_111 : memref<50000x128xf32, #tpu.memory_space<hbm>>) dst(%dma_wait3A_107 : memref<128x128xf32, #tpu.memory_space<vmem>>)
        %scan3A_112 = arith.constant 0 : i32
        scf.yield %scan3A_112 : i32
      }
      %scan3A_55 = arith.constant 4 : i32
      %add3A_56 = arith.constant 1536 : i32
      %add3A_57 = arith.addi %mul3A_21, %add3A_56 : i32
      "tpu.region"() ({
        %run_scoped3A = tpu.sem_alloc : memref<!tpu.dma_semaphore, #tpu.memory_space<semaphore_mem>>
        %dma_start3A = arith.constant 0 : i32
        %dma_start3A_94 = tpu.memref_slice %arg9[%add3A_57, %dma_start3A] : memref<65536x128xf32, #tpu.memory_space<hbm>> -> memref<512x128xf32, #tpu.memory_space<hbm>>
        %dma_start3A_95 = arith.constant 0 : i32
        %dma_start3A_96 = tpu.memref_slice %arg9[%add3A_57, %dma_start3A_95] : memref<65536x128xf32, #tpu.memory_space<hbm>> -> memref<512x128xf32, #tpu.memory_space<hbm>>
        tpu.enqueue_dma source(%arg15 : memref<512x128xf32, #tpu.memory_space<vmem>>) target(%dma_start3A_96 : memref<512x128xf32, #tpu.memory_space<hbm>>) target_semaphore(%run_scoped3A : memref<!tpu.dma_semaphore, #tpu.memory_space<semaphore_mem>>)
        %dma_wait3A = arith.constant 0 : i32
        %dma_wait3A_97 = tpu.memref_slice %arg9[%add3A_57, %dma_wait3A] : memref<65536x128xf32, #tpu.memory_space<hbm>> -> memref<512x128xf32, #tpu.memory_space<hbm>>
        %dma_wait3A_98 = arith.constant 0 : i32
        %dma_wait3A_99 = tpu.memref_slice %arg9[%add3A_57, %dma_wait3A_98] : memref<65536x128xf32, #tpu.memory_space<hbm>> -> memref<512x128xf32, #tpu.memory_space<hbm>>
        tpu.wait_dma2 semaphore(%run_scoped3A : memref<!tpu.dma_semaphore, #tpu.memory_space<semaphore_mem>>) src(%arg15 : memref<512x128xf32, #tpu.memory_space<vmem>>) dst(%dma_wait3A_99 : memref<512x128xf32, #tpu.memory_space<hbm>>)
        tpu.yield
      }) : () -> ()
      %scan3A_58 = arith.constant 0 : i32
      %scan3A_59 = arith.constant 0 : i32
      %scan3A_60 = arith.constant 4 : i32
      %scan3A_61 = arith.addi %scan3A_59, %scan3A_60 : i32
      %scan3A_62 = arith.constant 1 : i32
      %scan3A_63 = scf.for %scan3A_94 = %scan3A_59 to %scan3A_61 step %scan3A_62 iter_args(%scan3A_95 = %scan3A_58) -> (i32)  : i32 {
        %mul3A_96 = arith.constant 128 : i32
        %mul3A_97 = arith.muli %scan3A_94, %mul3A_96 : i32
        %add3A_98 = arith.constant 2048 : i32
        %add3A_99 = arith.addi %add3A_98, %mul3A_97 : i32
        %mul3A_100 = arith.constant 128 : i32
        %mul3A_101 = arith.muli %scan3A_94, %mul3A_100 : i32
        %dma_start3A = arith.constant 0 : i32
        %dma_start3A_102 = tpu.memref_slice %arg15[%mul3A_101, %dma_start3A] : memref<512x128xf32, #tpu.memory_space<vmem>> -> memref<128x128xf32, #tpu.memory_space<vmem>>
        %dma_start3A_103 = tpu.memref_slice %arg12[%add3A_99] : memref<4096xi32, #tpu.memory_space<vmem>> -> memref<128xi32, #tpu.memory_space<vmem>>
        %dma_start3A_104 = arith.constant 0 : i32
        %dma_start3A_105 = arith.constant 0 : i32
        %dma_start3A_106 = tpu.memref_slice %arg5[%dma_start3A_104, %dma_start3A_105] : memref<50000x128xf32, #tpu.memory_space<hbm>> -> memref<50000x128xf32, #tpu.memory_space<hbm>>
        tpu.enqueue_indirect_dma source(%dma_start3A_106 : memref<50000x128xf32, #tpu.memory_space<hbm>>) target(%dma_start3A_102 : memref<128x128xf32, #tpu.memory_space<vmem>>) offsets(%dma_start3A_103 : memref<128xi32, #tpu.memory_space<vmem>>) semaphore(%arg20 : memref<!tpu.dma_semaphore, #tpu.memory_space<semaphore_mem>>)
        %dma_wait3A = arith.constant 0 : i32
        %dma_wait3A_107 = tpu.memref_slice %arg15[%mul3A_101, %dma_wait3A] : memref<512x128xf32, #tpu.memory_space<vmem>> -> memref<128x128xf32, #tpu.memory_space<vmem>>
        %dma_wait3A_108 = tpu.memref_slice %arg12[%add3A_99] : memref<4096xi32, #tpu.memory_space<vmem>> -> memref<128xi32, #tpu.memory_space<vmem>>
        %dma_wait3A_109 = arith.constant 0 : i32
        %dma_wait3A_110 = arith.constant 0 : i32
        %dma_wait3A_111 = tpu.memref_slice %arg5[%dma_wait3A_109, %dma_wait3A_110] : memref<50000x128xf32, #tpu.memory_space<hbm>> -> memref<50000x128xf32, #tpu.memory_space<hbm>>
        tpu.wait_indirect_dma semaphore(%arg20 : memref<!tpu.dma_semaphore, #tpu.memory_space<semaphore_mem>>) src(%dma_wait3A_111 : memref<50000x128xf32, #tpu.memory_space<hbm>>) dst(%dma_wait3A_107 : memref<128x128xf32, #tpu.memory_space<vmem>>)
        %scan3A_112 = arith.constant 0 : i32
        scf.yield %scan3A_112 : i32
      }
      %scan3A_64 = arith.constant 4 : i32
      %add3A_65 = arith.constant 2048 : i32
      %add3A_66 = arith.addi %mul3A_21, %add3A_65 : i32
      "tpu.region"() ({
        %run_scoped3A = tpu.sem_alloc : memref<!tpu.dma_semaphore, #tpu.memory_space<semaphore_mem>>
        %dma_start3A = arith.constant 0 : i32
        %dma_start3A_94 = tpu.memref_slice %arg9[%add3A_66, %dma_start3A] : memref<65536x128xf32, #tpu.memory_space<hbm>> -> memref<512x128xf32, #tpu.memory_space<hbm>>
        %dma_start3A_95 = arith.constant 0 : i32
        %dma_start3A_96 = tpu.memref_slice %arg9[%add3A_66, %dma_start3A_95] : memref<65536x128xf32, #tpu.memory_space<hbm>> -> memref<512x128xf32, #tpu.memory_space<hbm>>
        tpu.enqueue_dma source(%arg15 : memref<512x128xf32, #tpu.memory_space<vmem>>) target(%dma_start3A_96 : memref<512x128xf32, #tpu.memory_space<hbm>>) target_semaphore(%run_scoped3A : memref<!tpu.dma_semaphore, #tpu.memory_space<semaphore_mem>>)
        %dma_wait3A = arith.constant 0 : i32
        %dma_wait3A_97 = tpu.memref_slice %arg9[%add3A_66, %dma_wait3A] : memref<65536x128xf32, #tpu.memory_space<hbm>> -> memref<512x128xf32, #tpu.memory_space<hbm>>
        %dma_wait3A_98 = arith.constant 0 : i32
        %dma_wait3A_99 = tpu.memref_slice %arg9[%add3A_66, %dma_wait3A_98] : memref<65536x128xf32, #tpu.memory_space<hbm>> -> memref<512x128xf32, #tpu.memory_space<hbm>>
        tpu.wait_dma2 semaphore(%run_scoped3A : memref<!tpu.dma_semaphore, #tpu.memory_space<semaphore_mem>>) src(%arg15 : memref<512x128xf32, #tpu.memory_space<vmem>>) dst(%dma_wait3A_99 : memref<512x128xf32, #tpu.memory_space<hbm>>)
        tpu.yield
      }) : () -> ()
      %scan3A_67 = arith.constant 0 : i32
      %scan3A_68 = arith.constant 0 : i32
      %scan3A_69 = arith.constant 4 : i32
      %scan3A_70 = arith.addi %scan3A_68, %scan3A_69 : i32
      %scan3A_71 = arith.constant 1 : i32
      %scan3A_72 = scf.for %scan3A_94 = %scan3A_68 to %scan3A_70 step %scan3A_71 iter_args(%scan3A_95 = %scan3A_67) -> (i32)  : i32 {
        %mul3A_96 = arith.constant 128 : i32
        %mul3A_97 = arith.muli %scan3A_94, %mul3A_96 : i32
        %add3A_98 = arith.constant 2560 : i32
        %add3A_99 = arith.addi %add3A_98, %mul3A_97 : i32
        %mul3A_100 = arith.constant 128 : i32
        %mul3A_101 = arith.muli %scan3A_94, %mul3A_100 : i32
        %dma_start3A = arith.constant 0 : i32
        %dma_start3A_102 = tpu.memref_slice %arg15[%mul3A_101, %dma_start3A] : memref<512x128xf32, #tpu.memory_space<vmem>> -> memref<128x128xf32, #tpu.memory_space<vmem>>
        %dma_start3A_103 = tpu.memref_slice %arg12[%add3A_99] : memref<4096xi32, #tpu.memory_space<vmem>> -> memref<128xi32, #tpu.memory_space<vmem>>
        %dma_start3A_104 = arith.constant 0 : i32
        %dma_start3A_105 = arith.constant 0 : i32
        %dma_start3A_106 = tpu.memref_slice %arg5[%dma_start3A_104, %dma_start3A_105] : memref<50000x128xf32, #tpu.memory_space<hbm>> -> memref<50000x128xf32, #tpu.memory_space<hbm>>
        tpu.enqueue_indirect_dma source(%dma_start3A_106 : memref<50000x128xf32, #tpu.memory_space<hbm>>) target(%dma_start3A_102 : memref<128x128xf32, #tpu.memory_space<vmem>>) offsets(%dma_start3A_103 : memref<128xi32, #tpu.memory_space<vmem>>) semaphore(%arg20 : memref<!tpu.dma_semaphore, #tpu.memory_space<semaphore_mem>>)
        %dma_wait3A = arith.constant 0 : i32
        %dma_wait3A_107 = tpu.memref_slice %arg15[%mul3A_101, %dma_wait3A] : memref<512x128xf32, #tpu.memory_space<vmem>> -> memref<128x128xf32, #tpu.memory_space<vmem>>
        %dma_wait3A_108 = tpu.memref_slice %arg12[%add3A_99] : memref<4096xi32, #tpu.memory_space<vmem>> -> memref<128xi32, #tpu.memory_space<vmem>>
        %dma_wait3A_109 = arith.constant 0 : i32
        %dma_wait3A_110 = arith.constant 0 : i32
        %dma_wait3A_111 = tpu.memref_slice %arg5[%dma_wait3A_109, %dma_wait3A_110] : memref<50000x128xf32, #tpu.memory_space<hbm>> -> memref<50000x128xf32, #tpu.memory_space<hbm>>
        tpu.wait_indirect_dma semaphore(%arg20 : memref<!tpu.dma_semaphore, #tpu.memory_space<semaphore_mem>>) src(%dma_wait3A_111 : memref<50000x128xf32, #tpu.memory_space<hbm>>) dst(%dma_wait3A_107 : memref<128x128xf32, #tpu.memory_space<vmem>>)
        %scan3A_112 = arith.constant 0 : i32
        scf.yield %scan3A_112 : i32
      }
      %scan3A_73 = arith.constant 4 : i32
      %add3A_74 = arith.constant 2560 : i32
      %add3A_75 = arith.addi %mul3A_21, %add3A_74 : i32
      "tpu.region"() ({
        %run_scoped3A = tpu.sem_alloc : memref<!tpu.dma_semaphore, #tpu.memory_space<semaphore_mem>>
        %dma_start3A = arith.constant 0 : i32
        %dma_start3A_94 = tpu.memref_slice %arg9[%add3A_75, %dma_start3A] : memref<65536x128xf32, #tpu.memory_space<hbm>> -> memref<512x128xf32, #tpu.memory_space<hbm>>
        %dma_start3A_95 = arith.constant 0 : i32
        %dma_start3A_96 = tpu.memref_slice %arg9[%add3A_75, %dma_start3A_95] : memref<65536x128xf32, #tpu.memory_space<hbm>> -> memref<512x128xf32, #tpu.memory_space<hbm>>
        tpu.enqueue_dma source(%arg15 : memref<512x128xf32, #tpu.memory_space<vmem>>) target(%dma_start3A_96 : memref<512x128xf32, #tpu.memory_space<hbm>>) target_semaphore(%run_scoped3A : memref<!tpu.dma_semaphore, #tpu.memory_space<semaphore_mem>>)
        %dma_wait3A = arith.constant 0 : i32
        %dma_wait3A_97 = tpu.memref_slice %arg9[%add3A_75, %dma_wait3A] : memref<65536x128xf32, #tpu.memory_space<hbm>> -> memref<512x128xf32, #tpu.memory_space<hbm>>
        %dma_wait3A_98 = arith.constant 0 : i32
        %dma_wait3A_99 = tpu.memref_slice %arg9[%add3A_75, %dma_wait3A_98] : memref<65536x128xf32, #tpu.memory_space<hbm>> -> memref<512x128xf32, #tpu.memory_space<hbm>>
        tpu.wait_dma2 semaphore(%run_scoped3A : memref<!tpu.dma_semaphore, #tpu.memory_space<semaphore_mem>>) src(%arg15 : memref<512x128xf32, #tpu.memory_space<vmem>>) dst(%dma_wait3A_99 : memref<512x128xf32, #tpu.memory_space<hbm>>)
        tpu.yield
      }) : () -> ()
      %scan3A_76 = arith.constant 0 : i32
      %scan3A_77 = arith.constant 0 : i32
      %scan3A_78 = arith.constant 4 : i32
      %scan3A_79 = arith.addi %scan3A_77, %scan3A_78 : i32
      %scan3A_80 = arith.constant 1 : i32
      %scan3A_81 = scf.for %scan3A_94 = %scan3A_77 to %scan3A_79 step %scan3A_80 iter_args(%scan3A_95 = %scan3A_76) -> (i32)  : i32 {
        %mul3A_96 = arith.constant 128 : i32
        %mul3A_97 = arith.muli %scan3A_94, %mul3A_96 : i32
        %add3A_98 = arith.constant 3072 : i32
        %add3A_99 = arith.addi %add3A_98, %mul3A_97 : i32
        %mul3A_100 = arith.constant 128 : i32
        %mul3A_101 = arith.muli %scan3A_94, %mul3A_100 : i32
        %dma_start3A = arith.constant 0 : i32
        %dma_start3A_102 = tpu.memref_slice %arg15[%mul3A_101, %dma_start3A] : memref<512x128xf32, #tpu.memory_space<vmem>> -> memref<128x128xf32, #tpu.memory_space<vmem>>
        %dma_start3A_103 = tpu.memref_slice %arg12[%add3A_99] : memref<4096xi32, #tpu.memory_space<vmem>> -> memref<128xi32, #tpu.memory_space<vmem>>
        %dma_start3A_104 = arith.constant 0 : i32
        %dma_start3A_105 = arith.constant 0 : i32
        %dma_start3A_106 = tpu.memref_slice %arg5[%dma_start3A_104, %dma_start3A_105] : memref<50000x128xf32, #tpu.memory_space<hbm>> -> memref<50000x128xf32, #tpu.memory_space<hbm>>
        tpu.enqueue_indirect_dma source(%dma_start3A_106 : memref<50000x128xf32, #tpu.memory_space<hbm>>) target(%dma_start3A_102 : memref<128x128xf32, #tpu.memory_space<vmem>>) offsets(%dma_start3A_103 : memref<128xi32, #tpu.memory_space<vmem>>) semaphore(%arg20 : memref<!tpu.dma_semaphore, #tpu.memory_space<semaphore_mem>>)
        %dma_wait3A = arith.constant 0 : i32
        %dma_wait3A_107 = tpu.memref_slice %arg15[%mul3A_101, %dma_wait3A] : memref<512x128xf32, #tpu.memory_space<vmem>> -> memref<128x128xf32, #tpu.memory_space<vmem>>
        %dma_wait3A_108 = tpu.memref_slice %arg12[%add3A_99] : memref<4096xi32, #tpu.memory_space<vmem>> -> memref<128xi32, #tpu.memory_space<vmem>>
        %dma_wait3A_109 = arith.constant 0 : i32
        %dma_wait3A_110 = arith.constant 0 : i32
        %dma_wait3A_111 = tpu.memref_slice %arg5[%dma_wait3A_109, %dma_wait3A_110] : memref<50000x128xf32, #tpu.memory_space<hbm>> -> memref<50000x128xf32, #tpu.memory_space<hbm>>
        tpu.wait_indirect_dma semaphore(%arg20 : memref<!tpu.dma_semaphore, #tpu.memory_space<semaphore_mem>>) src(%dma_wait3A_111 : memref<50000x128xf32, #tpu.memory_space<hbm>>) dst(%dma_wait3A_107 : memref<128x128xf32, #tpu.memory_space<vmem>>)
        %scan3A_112 = arith.constant 0 : i32
        scf.yield %scan3A_112 : i32
      }
      %scan3A_82 = arith.constant 4 : i32
      %add3A_83 = arith.constant 3072 : i32
      %add3A_84 = arith.addi %mul3A_21, %add3A_83 : i32
      "tpu.region"() ({
        %run_scoped3A = tpu.sem_alloc : memref<!tpu.dma_semaphore, #tpu.memory_space<semaphore_mem>>
        %dma_start3A = arith.constant 0 : i32
        %dma_start3A_94 = tpu.memref_slice %arg9[%add3A_84, %dma_start3A] : memref<65536x128xf32, #tpu.memory_space<hbm>> -> memref<512x128xf32, #tpu.memory_space<hbm>>
        %dma_start3A_95 = arith.constant 0 : i32
        %dma_start3A_96 = tpu.memref_slice %arg9[%add3A_84, %dma_start3A_95] : memref<65536x128xf32, #tpu.memory_space<hbm>> -> memref<512x128xf32, #tpu.memory_space<hbm>>
        tpu.enqueue_dma source(%arg15 : memref<512x128xf32, #tpu.memory_space<vmem>>) target(%dma_start3A_96 : memref<512x128xf32, #tpu.memory_space<hbm>>) target_semaphore(%run_scoped3A : memref<!tpu.dma_semaphore, #tpu.memory_space<semaphore_mem>>)
        %dma_wait3A = arith.constant 0 : i32
        %dma_wait3A_97 = tpu.memref_slice %arg9[%add3A_84, %dma_wait3A] : memref<65536x128xf32, #tpu.memory_space<hbm>> -> memref<512x128xf32, #tpu.memory_space<hbm>>
        %dma_wait3A_98 = arith.constant 0 : i32
        %dma_wait3A_99 = tpu.memref_slice %arg9[%add3A_84, %dma_wait3A_98] : memref<65536x128xf32, #tpu.memory_space<hbm>> -> memref<512x128xf32, #tpu.memory_space<hbm>>
        tpu.wait_dma2 semaphore(%run_scoped3A : memref<!tpu.dma_semaphore, #tpu.memory_space<semaphore_mem>>) src(%arg15 : memref<512x128xf32, #tpu.memory_space<vmem>>) dst(%dma_wait3A_99 : memref<512x128xf32, #tpu.memory_space<hbm>>)
        tpu.yield
      }) : () -> ()
      %scan3A_85 = arith.constant 0 : i32
      %scan3A_86 = arith.constant 0 : i32
      %scan3A_87 = arith.constant 4 : i32
      %scan3A_88 = arith.addi %scan3A_86, %scan3A_87 : i32
      %scan3A_89 = arith.constant 1 : i32
      %scan3A_90 = scf.for %scan3A_94 = %scan3A_86 to %scan3A_88 step %scan3A_89 iter_args(%scan3A_95 = %scan3A_85) -> (i32)  : i32 {
        %mul3A_96 = arith.constant 128 : i32
        %mul3A_97 = arith.muli %scan3A_94, %mul3A_96 : i32
        %add3A_98 = arith.constant 3584 : i32
        %add3A_99 = arith.addi %add3A_98, %mul3A_97 : i32
        %mul3A_100 = arith.constant 128 : i32
        %mul3A_101 = arith.muli %scan3A_94, %mul3A_100 : i32
        %dma_start3A = arith.constant 0 : i32
        %dma_start3A_102 = tpu.memref_slice %arg15[%mul3A_101, %dma_start3A] : memref<512x128xf32, #tpu.memory_space<vmem>> -> memref<128x128xf32, #tpu.memory_space<vmem>>
        %dma_start3A_103 = tpu.memref_slice %arg12[%add3A_99] : memref<4096xi32, #tpu.memory_space<vmem>> -> memref<128xi32, #tpu.memory_space<vmem>>
        %dma_start3A_104 = arith.constant 0 : i32
        %dma_start3A_105 = arith.constant 0 : i32
        %dma_start3A_106 = tpu.memref_slice %arg5[%dma_start3A_104, %dma_start3A_105] : memref<50000x128xf32, #tpu.memory_space<hbm>> -> memref<50000x128xf32, #tpu.memory_space<hbm>>
        tpu.enqueue_indirect_dma source(%dma_start3A_106 : memref<50000x128xf32, #tpu.memory_space<hbm>>) target(%dma_start3A_102 : memref<128x128xf32, #tpu.memory_space<vmem>>) offsets(%dma_start3A_103 : memref<128xi32, #tpu.memory_space<vmem>>) semaphore(%arg20 : memref<!tpu.dma_semaphore, #tpu.memory_space<semaphore_mem>>)
        %dma_wait3A = arith.constant 0 : i32
        %dma_wait3A_107 = tpu.memref_slice %arg15[%mul3A_101, %dma_wait3A] : memref<512x128xf32, #tpu.memory_space<vmem>> -> memref<128x128xf32, #tpu.memory_space<vmem>>
        %dma_wait3A_108 = tpu.memref_slice %arg12[%add3A_99] : memref<4096xi32, #tpu.memory_space<vmem>> -> memref<128xi32, #tpu.memory_space<vmem>>
        %dma_wait3A_109 = arith.constant 0 : i32
        %dma_wait3A_110 = arith.constant 0 : i32
        %dma_wait3A_111 = tpu.memref_slice %arg5[%dma_wait3A_109, %dma_wait3A_110] : memref<50000x128xf32, #tpu.memory_space<hbm>> -> memref<50000x128xf32, #tpu.memory_space<hbm>>
        tpu.wait_indirect_dma semaphore(%arg20 : memref<!tpu.dma_semaphore, #tpu.memory_space<semaphore_mem>>) src(%dma_wait3A_111 : memref<50000x128xf32, #tpu.memory_space<hbm>>) dst(%dma_wait3A_107 : memref<128x128xf32, #tpu.memory_space<vmem>>)
        %scan3A_112 = arith.constant 0 : i32
        scf.yield %scan3A_112 : i32
      }
      %scan3A_91 = arith.constant 4 : i32
      %add3A_92 = arith.constant 3584 : i32
      %add3A_93 = arith.addi %mul3A_21, %add3A_92 : i32
      "tpu.region"() ({
        %run_scoped3A = tpu.sem_alloc : memref<!tpu.dma_semaphore, #tpu.memory_space<semaphore_mem>>
        %dma_start3A = arith.constant 0 : i32
        %dma_start3A_94 = tpu.memref_slice %arg9[%add3A_93, %dma_start3A] : memref<65536x128xf32, #tpu.memory_space<hbm>> -> memref<512x128xf32, #tpu.memory_space<hbm>>
        %dma_start3A_95 = arith.constant 0 : i32
        %dma_start3A_96 = tpu.memref_slice %arg9[%add3A_93, %dma_start3A_95] : memref<65536x128xf32, #tpu.memory_space<hbm>> -> memref<512x128xf32, #tpu.memory_space<hbm>>
        tpu.enqueue_dma source(%arg15 : memref<512x128xf32, #tpu.memory_space<vmem>>) target(%dma_start3A_96 : memref<512x128xf32, #tpu.memory_space<hbm>>) target_semaphore(%run_scoped3A : memref<!tpu.dma_semaphore, #tpu.memory_space<semaphore_mem>>)
        %dma_wait3A = arith.constant 0 : i32
        %dma_wait3A_97 = tpu.memref_slice %arg9[%add3A_93, %dma_wait3A] : memref<65536x128xf32, #tpu.memory_space<hbm>> -> memref<512x128xf32, #tpu.memory_space<hbm>>
        %dma_wait3A_98 = arith.constant 0 : i32
        %dma_wait3A_99 = tpu.memref_slice %arg9[%add3A_93, %dma_wait3A_98] : memref<65536x128xf32, #tpu.memory_space<hbm>> -> memref<512x128xf32, #tpu.memory_space<hbm>>
        tpu.wait_dma2 semaphore(%run_scoped3A : memref<!tpu.dma_semaphore, #tpu.memory_space<semaphore_mem>>) src(%arg15 : memref<512x128xf32, #tpu.memory_space<vmem>>) dst(%dma_wait3A_99 : memref<512x128xf32, #tpu.memory_space<hbm>>)
        tpu.yield
      }) : () -> ()
    } else {
    }
    %ge3A = arith.constant 16 : i32
    %ge3A_8 = arith.cmpi sge, %add3A, %ge3A : i32
    %convert_element_type3A_9 = arith.extui %ge3A_8 : i1 to i32
    %cond3A_10 = arith.constant 0 : i32
    %cond3A_11 = arith.cmpi ne, %convert_element_type3A_9, %cond3A_10 : i32
    scf.if %cond3A_11 {
      %sub3A = arith.constant 16 : i32
      %sub3A_12 = arith.subi %add3A, %sub3A : i32
      %mul3A_13 = arith.constant 16384 : i32
      %mul3A_14 = arith.muli %sub3A_12, %mul3A_13 : i32
      %broadcast_in_dim3A = arith.constant -1 : i32
      %broadcast_in_dim3A_15 = vector.broadcast %broadcast_in_dim3A : i32 to vector<16xi32>
      %scan3A = arith.constant 0 : i32
      %scan3A_16 = arith.constant 0 : i32
      %scan3A_17 = arith.constant 1024 : i32
      %scan3A_18 = arith.addi %scan3A_16, %scan3A_17 : i32
      %scan3A_19 = arith.constant 1 : i32
      %scan3A_20 = scf.for %scan3A_36 = %scan3A_16 to %scan3A_18 step %scan3A_19 iter_args(%scan3A_37 = %scan3A) -> (i32)  : i32 {
        %mul3A_38 = arith.constant 16 : i32
        %mul3A_39 = arith.muli %scan3A_36, %mul3A_38 : i32
        %swap3A = arith.index_cast %mul3A_39 : i32 to index
        %swap3A_40 = tpu.vector_load %arg16[%swap3A] {strides = array<i32>} : memref<16384xi32, #tpu.memory_space<vmem>>, vector<16xi32>,
        tpu.vector_store %arg16[%swap3A], %broadcast_in_dim3A_15 {strides = array<i32>} : memref<16384xi32, #tpu.memory_space<vmem>>, vector<16xi32>,
        %scan3A_41 = arith.constant 0 : i32
        scf.yield %scan3A_41 : i32
      }
      %scan3A_21 = arith.constant 1024 : i32
      %scan3A_22 = arith.constant 0 : i32
      %scan3A_23 = arith.constant 0 : i32
      %scan3A_24 = arith.constant 32 : i32
      %scan3A_25 = arith.addi %scan3A_23, %scan3A_24 : i32
      %scan3A_26 = arith.constant 1 : i32
      %scan3A_27 = scf.for %scan3A_36 = %scan3A_23 to %scan3A_25 step %scan3A_26 iter_args(%scan3A_37 = %scan3A_22) -> (i32)  : i32 {
        %mul3A_38 = arith.constant 4096 : i32
        %mul3A_39 = arith.muli %scan3A_36, %mul3A_38 : i32
        "tpu.region"() ({
          %run_scoped3A = tpu.sem_alloc : memref<!tpu.dma_semaphore, #tpu.memory_space<semaphore_mem>>
          %dma_start3A = tpu.memref_slice %arg4[%mul3A_39] : memref<131072xi32, #tpu.memory_space<hbm>> -> memref<4096xi32, #tpu.memory_space<hbm>>
          %dma_start3A_48 = tpu.memref_slice %arg4[%mul3A_39] : memref<131072xi32, #tpu.memory_space<hbm>> -> memref<4096xi32, #tpu.memory_space<hbm>>
          tpu.enqueue_dma source(%dma_start3A_48 : memref<4096xi32, #tpu.memory_space<hbm>>) target(%arg17 : memref<4096xi32, #tpu.memory_space<vmem>>) target_semaphore(%run_scoped3A : memref<!tpu.dma_semaphore, #tpu.memory_space<semaphore_mem>>)
          %dma_wait3A = tpu.memref_slice %arg4[%mul3A_39] : memref<131072xi32, #tpu.memory_space<hbm>> -> memref<4096xi32, #tpu.memory_space<hbm>>
          %dma_wait3A_49 = tpu.memref_slice %arg4[%mul3A_39] : memref<131072xi32, #tpu.memory_space<hbm>> -> memref<4096xi32, #tpu.memory_space<hbm>>
          tpu.wait_dma2 semaphore(%run_scoped3A : memref<!tpu.dma_semaphore, #tpu.memory_space<semaphore_mem>>) src(%dma_wait3A_49 : memref<4096xi32, #tpu.memory_space<hbm>>) dst(%arg17 : memref<4096xi32, #tpu.memory_space<vmem>>)
          tpu.yield
        }) : () -> ()
        %scan3A_40 = arith.constant 0 : i32
        %scan3A_41 = arith.constant 0 : i32
        %scan3A_42 = arith.constant 128 : i32
        %scan3A_43 = arith.addi %scan3A_41, %scan3A_42 : i32
        %scan3A_44 = arith.constant 1 : i32
        %scan3A_45 = scf.for %scan3A_48 = %scan3A_41 to %scan3A_43 step %scan3A_44 iter_args(%scan3A_49 = %scan3A_40) -> (i32)  : i32 {
          %mul3A_50 = arith.constant 2 : i32
          %mul3A_51 = arith.muli %mul3A_50, %scan3A_48 : i32
          %mul3A_52 = arith.constant 16 : i32
          %mul3A_53 = arith.muli %mul3A_51, %mul3A_52 : i32
          %get3A = arith.index_cast %mul3A_53 : i32 to index
          %get3A_54 = tpu.vector_load %arg17[%get3A] {strides = array<i32>} : memref<4096xi32, #tpu.memory_space<vmem>>, vector<16xi32>,
          %ge3A_55 = vector.broadcast %mul3A_14 : i32 to vector<16xi32>
          %ge3A_56 = arith.cmpi sge, %get3A_54, %ge3A_55 : vector<16xi32>
          %add3A_57 = arith.constant 16384 : i32
          %add3A_58 = arith.addi %mul3A_14, %add3A_57 : i32
          %lt3A_59 = vector.broadcast %add3A_58 : i32 to vector<16xi32>
          %lt3A_60 = arith.cmpi slt, %get3A_54, %lt3A_59 : vector<16xi32>
          %and3A = arith.andi %ge3A_56, %lt3A_60 : vector<16xi1>
          %reduce_or3A = arith.constant 1.000000e+00 : f32
          %reduce_or3A_61 = arith.constant 0.000000e+00 : f32
          %reduce_or3A_62 = vector.broadcast %reduce_or3A : f32 to vector<16xf32>
          %reduce_or3A_63 = vector.broadcast %reduce_or3A_61 : f32 to vector<16xf32>
          %reduce_or3A_64 = arith.select %and3A, %reduce_or3A_62, %reduce_or3A_63 : vector<16xi1>, vector<16xf32>
          %reduce_or3A_65 = arith.constant true
          %reduce_or3A_66 = vector.broadcast %reduce_or3A_65 : i1 to vector<16xi1>
          %reduce_or3A_67 = tpu.scan <max>, %reduce_or3A_64 masked %reduce_or3A_66 : vector<16xf32>, vector<16xi1> -> vector<16xf32>
          %reduce_or3A_68 = vector.extract %reduce_or3A_67[15] : f32 from vector<16xf32>
          %reduce_or3A_69 = arith.constant 0.000000e+00 : f32
          %reduce_or3A_70 = arith.cmpf ogt, %reduce_or3A_68, %reduce_or3A_69 : f32
          %convert_element_type3A_71 = arith.extui %reduce_or3A_70 : i1 to i32
          %cond3A_72 = arith.constant 0 : i32
          %cond3A_73 = arith.cmpi ne, %convert_element_type3A_71, %cond3A_72 : i32
          scf.if %cond3A_73 {
            %mul3A_104 = arith.constant 4096 : i32
            %mul3A_105 = arith.muli %scan3A_36, %mul3A_104 : i32
            %mul3A_106 = arith.constant 16 : i32
            %mul3A_107 = arith.muli %mul3A_51, %mul3A_106 : i32
            %add3A_108 = arith.addi %mul3A_105, %mul3A_107 : i32
            %add3A_109 = vector.broadcast %add3A_108 : i32 to vector<16xi32>
            %add3A_110 = arith.addi %add3A_109, %iota3A : vector<16xi32>
            %sub3A_111 = vector.broadcast %mul3A_14 : i32 to vector<16xi32>
            %sub3A_112 = arith.subi %get3A_54, %sub3A_111 : vector<16xi32>
            %shift_left3A = arith.constant 17 : i32
            %shift_left3A_113 = vector.broadcast %shift_left3A : i32 to vector<16xi32>
            %shift_left3A_114 = arith.shli %sub3A_112, %shift_left3A_113 : vector<16xi32>
            %or3A = arith.ori %shift_left3A_114, %add3A_110 : vector<16xi32>
            %jit3A = arith.constant -1 : i32
            %broadcast_in_dim3A_115 = vector.broadcast %jit3A : i32 to vector<16xi32>
            %select_n3A = arith.select %and3A, %or3A, %broadcast_in_dim3A_115 : vector<16xi1>, vector<16xi32>
            %masked_sort3A = arith.constant dense<true> : vector<16xi1>
            %masked_sort3A_116 = arith.constant -2147483648 : i32
            %masked_sort3A_117 = vector.broadcast %masked_sort3A_116 : i32 to vector<16xi32>
            %masked_sort3A_118 = arith.xori %select_n3A, %masked_sort3A_117 : vector<16xi32>
            %masked_sort3A_119, %masked_sort3A_120, %masked_sort3A_121 = tpu.sort %masked_sort3A_118, %select_n3A masked %masked_sort3A : (vector<16xi32>, vector<16xi32>, vector<16xi1>) -> (vector<16xi1>, vector<16xi32>, vector<16xi32>)
            %masked_sort3A_122 = arith.xori %masked_sort3A_120, %masked_sort3A_117 : vector<16xi32>
            %swap3A = arith.constant 0 : index
            %swap3A_123 = tpu.vector_load %arg19[%swap3A] {strides = array<i32>} : memref<16xi32, #tpu.memory_space<vmem>>, vector<16xi32>,
            tpu.vector_store %arg19[%swap3A], %masked_sort3A_122 {strides = array<i32>} : memref<16xi32, #tpu.memory_space<vmem>>, vector<16xi32>,
            %gather3A = tpu.vector_load_idx %arg19[%min3A_5] : memref<16xi32, #tpu.memory_space<vmem>>[vector<16xi32>], vector<16xi32>,
            %shift_right_arithmetic3A = arith.constant 17 : i32
            %shift_right_arithmetic3A_124 = vector.broadcast %shift_right_arithmetic3A : i32 to vector<16xi32>
            %shift_right_arithmetic3A_125 = arith.shrsi %masked_sort3A_122, %shift_right_arithmetic3A_124 : vector<16xi32>
            %shift_right_arithmetic3A_126 = arith.constant 17 : i32
            %shift_right_arithmetic3A_127 = vector.broadcast %shift_right_arithmetic3A_126 : i32 to vector<16xi32>
            %shift_right_arithmetic3A_128 = arith.shrsi %gather3A, %shift_right_arithmetic3A_127 : vector<16xi32>
            %ne3A = arith.cmpi ne, %shift_right_arithmetic3A_125, %shift_right_arithmetic3A_128 : vector<16xi32>
            %eq3A = arith.constant 15 : i32
            %eq3A_129 = vector.broadcast %eq3A : i32 to vector<16xi32>
            %eq3A_130 = arith.cmpi eq, %iota3A, %eq3A_129 : vector<16xi32>
            %or3A_131 = arith.ori %ne3A, %eq3A_130 : vector<16xi1>
            %ge3A_132 = arith.constant 0 : i32
            %ge3A_133 = vector.broadcast %ge3A_132 : i32 to vector<16xi32>
            %ge3A_134 = arith.cmpi sge, %masked_sort3A_122, %ge3A_133 : vector<16xi32>
            %and3A_135 = arith.andi %or3A_131, %ge3A_134 : vector<16xi1>
            %shift_right_arithmetic3A_136 = arith.constant 17 : i32
            %shift_right_arithmetic3A_137 = vector.broadcast %shift_right_arithmetic3A_136 : i32 to vector<16xi32>
            %shift_right_arithmetic3A_138 = arith.shrsi %masked_sort3A_122, %shift_right_arithmetic3A_137 : vector<16xi32>
            %max3A = arith.constant 0 : i32
            %max3A_139 = vector.broadcast %max3A : i32 to vector<16xi32>
            %max3A_140 = arith.maxsi %shift_right_arithmetic3A_138, %max3A_139 : vector<16xi32>
            %and3A_141 = arith.constant 131071 : i32
            %and3A_142 = vector.broadcast %and3A_141 : i32 to vector<16xi32>
            %and3A_143 = arith.andi %masked_sort3A_122, %and3A_142 : vector<16xi32>
            tpu.vector_store_idx %arg16[%max3A_140], %and3A_143 masked %and3A_135 : memref<16384xi32, #tpu.memory_space<vmem>>[vector<16xi32>], vector<16xi32>, vector<16xi1>
          } else {
          }
          %mul3A_74 = arith.constant 2 : i32
          %mul3A_75 = arith.muli %mul3A_74, %scan3A_48 : i32
          %add3A_76 = arith.constant 1 : i32
          %add3A_77 = arith.addi %mul3A_75, %add3A_76 : i32
          %mul3A_78 = arith.constant 16 : i32
          %mul3A_79 = arith.muli %add3A_77, %mul3A_78 : i32
          %get3A_80 = arith.index_cast %mul3A_79 : i32 to index
          %get3A_81 = tpu.vector_load %arg17[%get3A_80] {strides = array<i32>} : memref<4096xi32, #tpu.memory_space<vmem>>, vector<16xi32>,
          %ge3A_82 = vector.broadcast %mul3A_14 : i32 to vector<16xi32>
          %ge3A_83 = arith.cmpi sge, %get3A_81, %ge3A_82 : vector<16xi32>
          %add3A_84 = arith.constant 16384 : i32
          %add3A_85 = arith.addi %mul3A_14, %add3A_84 : i32
          %lt3A_86 = vector.broadcast %add3A_85 : i32 to vector<16xi32>
          %lt3A_87 = arith.cmpi slt, %get3A_81, %lt3A_86 : vector<16xi32>
          %and3A_88 = arith.andi %ge3A_83, %lt3A_87 : vector<16xi1>
          %reduce_or3A_89 = arith.constant 1.000000e+00 : f32
          %reduce_or3A_90 = arith.constant 0.000000e+00 : f32
          %reduce_or3A_91 = vector.broadcast %reduce_or3A_89 : f32 to vector<16xf32>
          %reduce_or3A_92 = vector.broadcast %reduce_or3A_90 : f32 to vector<16xf32>
          %reduce_or3A_93 = arith.select %and3A_88, %reduce_or3A_91, %reduce_or3A_92 : vector<16xi1>, vector<16xf32>
          %reduce_or3A_94 = arith.constant true
          %reduce_or3A_95 = vector.broadcast %reduce_or3A_94 : i1 to vector<16xi1>
          %reduce_or3A_96 = tpu.scan <max>, %reduce_or3A_93 masked %reduce_or3A_95 : vector<16xf32>, vector<16xi1> -> vector<16xf32>
          %reduce_or3A_97 = vector.extract %reduce_or3A_96[15] : f32 from vector<16xf32>
          %reduce_or3A_98 = arith.constant 0.000000e+00 : f32
          %reduce_or3A_99 = arith.cmpf ogt, %reduce_or3A_97, %reduce_or3A_98 : f32
          %convert_element_type3A_100 = arith.extui %reduce_or3A_99 : i1 to i32
          %cond3A_101 = arith.constant 0 : i32
          %cond3A_102 = arith.cmpi ne, %convert_element_type3A_100, %cond3A_101 : i32
          scf.if %cond3A_102 {
            %mul3A_104 = arith.constant 4096 : i32
            %mul3A_105 = arith.muli %scan3A_36, %mul3A_104 : i32
            %mul3A_106 = arith.constant 16 : i32
            %mul3A_107 = arith.muli %add3A_77, %mul3A_106 : i32
            %add3A_108 = arith.addi %mul3A_105, %mul3A_107 : i32
            %add3A_109 = vector.broadcast %add3A_108 : i32 to vector<16xi32>
            %add3A_110 = arith.addi %add3A_109, %iota3A : vector<16xi32>
            %sub3A_111 = vector.broadcast %mul3A_14 : i32 to vector<16xi32>
            %sub3A_112 = arith.subi %get3A_81, %sub3A_111 : vector<16xi32>
            %shift_left3A = arith.constant 17 : i32
            %shift_left3A_113 = vector.broadcast %shift_left3A : i32 to vector<16xi32>
            %shift_left3A_114 = arith.shli %sub3A_112, %shift_left3A_113 : vector<16xi32>
            %or3A = arith.ori %shift_left3A_114, %add3A_110 : vector<16xi32>
            %jit3A = arith.constant -1 : i32
            %broadcast_in_dim3A_115 = vector.broadcast %jit3A : i32 to vector<16xi32>
            %select_n3A = arith.select %and3A_88, %or3A, %broadcast_in_dim3A_115 : vector<16xi1>, vector<16xi32>
            %masked_sort3A = arith.constant dense<true> : vector<16xi1>
            %masked_sort3A_116 = arith.constant -2147483648 : i32
            %masked_sort3A_117 = vector.broadcast %masked_sort3A_116 : i32 to vector<16xi32>
            %masked_sort3A_118 = arith.xori %select_n3A, %masked_sort3A_117 : vector<16xi32>
            %masked_sort3A_119, %masked_sort3A_120, %masked_sort3A_121 = tpu.sort %masked_sort3A_118, %select_n3A masked %masked_sort3A : (vector<16xi32>, vector<16xi32>, vector<16xi1>) -> (vector<16xi1>, vector<16xi32>, vector<16xi32>)
            %masked_sort3A_122 = arith.xori %masked_sort3A_120, %masked_sort3A_117 : vector<16xi32>
            %swap3A = arith.constant 0 : index
            %swap3A_123 = tpu.vector_load %arg19[%swap3A] {strides = array<i32>} : memref<16xi32, #tpu.memory_space<vmem>>, vector<16xi32>,
            tpu.vector_store %arg19[%swap3A], %masked_sort3A_122 {strides = array<i32>} : memref<16xi32, #tpu.memory_space<vmem>>, vector<16xi32>,
            %gather3A = tpu.vector_load_idx %arg19[%min3A_5] : memref<16xi32, #tpu.memory_space<vmem>>[vector<16xi32>], vector<16xi32>,
            %shift_right_arithmetic3A = arith.constant 17 : i32
            %shift_right_arithmetic3A_124 = vector.broadcast %shift_right_arithmetic3A : i32 to vector<16xi32>
            %shift_right_arithmetic3A_125 = arith.shrsi %masked_sort3A_122, %shift_right_arithmetic3A_124 : vector<16xi32>
            %shift_right_arithmetic3A_126 = arith.constant 17 : i32
            %shift_right_arithmetic3A_127 = vector.broadcast %shift_right_arithmetic3A_126 : i32 to vector<16xi32>
            %shift_right_arithmetic3A_128 = arith.shrsi %gather3A, %shift_right_arithmetic3A_127 : vector<16xi32>
            %ne3A = arith.cmpi ne, %shift_right_arithmetic3A_125, %shift_right_arithmetic3A_128 : vector<16xi32>
            %eq3A = arith.constant 15 : i32
            %eq3A_129 = vector.broadcast %eq3A : i32 to vector<16xi32>
            %eq3A_130 = arith.cmpi eq, %iota3A, %eq3A_129 : vector<16xi32>
            %or3A_131 = arith.ori %ne3A, %eq3A_130 : vector<16xi1>
            %ge3A_132 = arith.constant 0 : i32
            %ge3A_133 = vector.broadcast %ge3A_132 : i32 to vector<16xi32>
            %ge3A_134 = arith.cmpi sge, %masked_sort3A_122, %ge3A_133 : vector<16xi32>
            %and3A_135 = arith.andi %or3A_131, %ge3A_134 : vector<16xi1>
            %shift_right_arithmetic3A_136 = arith.constant 17 : i32
            %shift_right_arithmetic3A_137 = vector.broadcast %shift_right_arithmetic3A_136 : i32 to vector<16xi32>
            %shift_right_arithmetic3A_138 = arith.shrsi %masked_sort3A_122, %shift_right_arithmetic3A_137 : vector<16xi32>
            %max3A = arith.constant 0 : i32
            %max3A_139 = vector.broadcast %max3A : i32 to vector<16xi32>
            %max3A_140 = arith.maxsi %shift_right_arithmetic3A_138, %max3A_139 : vector<16xi32>
            %and3A_141 = arith.constant 131071 : i32
            %and3A_142 = vector.broadcast %and3A_141 : i32 to vector<16xi32>
            %and3A_143 = arith.andi %masked_sort3A_122, %and3A_142 : vector<16xi32>
            tpu.vector_store_idx %arg16[%max3A_140], %and3A_143 masked %and3A_135 : memref<16384xi32, #tpu.memory_space<vmem>>[vector<16xi32>], vector<16xi32>, vector<16xi1>
          } else {
          }
          %scan3A_103 = arith.constant 0 : i32
          scf.yield %scan3A_103 : i32
        }
        %scan3A_46 = arith.constant 128 : i32
        %scan3A_47 = arith.constant 0 : i32
        scf.yield %scan3A_47 : i32
      }
      %scan3A_28 = arith.constant 32 : i32
      %scan3A_29 = arith.constant 0 : i32
      %scan3A_30 = arith.constant 0 : i32
      %scan3A_31 = arith.constant 8 : i32
      %scan3A_32 = arith.addi %scan3A_30, %scan3A_31 : i32
      %scan3A_33 = arith.constant 1 : i32
      %scan3A_34 = scf.for %scan3A_36 = %scan3A_30 to %scan3A_32 step %scan3A_33 iter_args(%scan3A_37 = %scan3A_29) -> (i32)  : i32 {
        %scan3A_38 = arith.constant 0 : i32
        %scan3A_39 = arith.constant 0 : i32
        %scan3A_40 = arith.constant 128 : i32
        %scan3A_41 = arith.addi %scan3A_39, %scan3A_40 : i32
        %scan3A_42 = arith.constant 1 : i32
        %scan3A_43 = scf.for %scan3A_49 = %scan3A_39 to %scan3A_41 step %scan3A_42 iter_args(%scan3A_50 = %scan3A_38) -> (i32)  : i32 {
          %mul3A_51 = arith.constant 2048 : i32
          %mul3A_52 = arith.muli %scan3A_36, %mul3A_51 : i32
          %mul3A_53 = arith.constant 16 : i32
          %mul3A_54 = arith.muli %scan3A_49, %mul3A_53 : i32
          %add3A_55 = arith.addi %mul3A_52, %mul3A_54 : i32
          %get3A = arith.index_cast %add3A_55 : i32 to index
          %get3A_56 = tpu.vector_load %arg16[%get3A] {strides = array<i32>} : memref<16384xi32, #tpu.memory_space<vmem>>, vector<16xi32>,
          %mul3A_57 = arith.constant 2048 : i32
          %mul3A_58 = arith.muli %scan3A_36, %mul3A_57 : i32
          %add3A_59 = arith.addi %mul3A_14, %mul3A_58 : i32
          %mul3A_60 = arith.constant 16 : i32
          %mul3A_61 = arith.muli %scan3A_49, %mul3A_60 : i32
          %add3A_62 = arith.addi %add3A_59, %mul3A_61 : i32
          %add3A_63 = vector.broadcast %add3A_62 : i32 to vector<16xi32>
          %add3A_64 = arith.addi %add3A_63, %iota3A : vector<16xi32>
          %ge3A_65 = arith.constant 0 : i32
          %ge3A_66 = vector.broadcast %ge3A_65 : i32 to vector<16xi32>
          %ge3A_67 = arith.cmpi sge, %get3A_56, %ge3A_66 : vector<16xi32>
          %add3A_68 = arith.constant 131072 : i32
          %add3A_69 = vector.broadcast %add3A_68 : i32 to vector<16xi32>
          %add3A_70 = arith.addi %add3A_64, %add3A_69 : vector<16xi32>
          %select_n3A = arith.select %ge3A_67, %get3A_56, %add3A_70 : vector<16xi1>, vector<16xi32>
          %mul3A_71 = arith.constant 16 : i32
          %mul3A_72 = arith.muli %scan3A_49, %mul3A_71 : i32
          %swap3A = arith.index_cast %mul3A_72 : i32 to index
          %swap3A_73 = tpu.vector_load %arg18[%swap3A] {strides = array<i32>} : memref<2048xi32, #tpu.memory_space<vmem>>, vector<16xi32>,
          tpu.vector_store %arg18[%swap3A], %select_n3A {strides = array<i32>} : memref<2048xi32, #tpu.memory_space<vmem>>, vector<16xi32>,
          %scan3A_74 = arith.constant 0 : i32
          scf.yield %scan3A_74 : i32
        }
        %scan3A_44 = arith.constant 128 : i32
        %mul3A_45 = arith.constant 2048 : i32
        %mul3A_46 = arith.muli %scan3A_36, %mul3A_45 : i32
        %add3A_47 = arith.addi %mul3A_14, %mul3A_46 : i32
        "tpu.region"() ({
          %run_scoped3A = tpu.sem_alloc : memref<!tpu.dma_semaphore, #tpu.memory_space<semaphore_mem>>
          %dma_start3A = tpu.memref_slice %arg10[%add3A_47] : memref<262144xi32, #tpu.memory_space<hbm>> -> memref<2048xi32, #tpu.memory_space<hbm>>
          %dma_start3A_49 = tpu.memref_slice %arg10[%add3A_47] : memref<262144xi32, #tpu.memory_space<hbm>> -> memref<2048xi32, #tpu.memory_space<hbm>>
          tpu.enqueue_dma source(%arg18 : memref<2048xi32, #tpu.memory_space<vmem>>) target(%dma_start3A_49 : memref<2048xi32, #tpu.memory_space<hbm>>) target_semaphore(%run_scoped3A : memref<!tpu.dma_semaphore, #tpu.memory_space<semaphore_mem>>)
          %dma_wait3A = tpu.memref_slice %arg10[%add3A_47] : memref<262144xi32, #tpu.memory_space<hbm>> -> memref<2048xi32, #tpu.memory_space<hbm>>
          %dma_wait3A_50 = tpu.memref_slice %arg10[%add3A_47] : memref<262144xi32, #tpu.memory_space<hbm>> -> memref<2048xi32, #tpu.memory_space<hbm>>
          tpu.wait_dma2 semaphore(%run_scoped3A : memref<!tpu.dma_semaphore, #tpu.memory_space<semaphore_mem>>) src(%arg18 : memref<2048xi32, #tpu.memory_space<vmem>>) dst(%dma_wait3A_50 : memref<2048xi32, #tpu.memory_space<hbm>>)
          tpu.yield
        }) : () -> ()
        %scan3A_48 = arith.constant 0 : i32
        scf.yield %scan3A_48 : i32
      }
      %scan3A_35 = arith.constant 8 : i32
    } else {
    }
    return
  }
}

#map = affine_map<(d0, d1) -> (0)>
#map1 = affine_map<(d0, d1) -> (0, 0)>
module attributes {stable_mosaic.version = 14 : i64} {
  func.func @_sc_emit(%arg0: i32, %arg1: i32, %arg2: memref<262144xi32, #tpu.memory_space<hbm>>, %arg3: memref<393216x128xf32, #tpu.memory_space<hbm>>, %arg4: memref<262144x128xf32, #tpu.memory_space<hbm>>, %arg5: memref<512xi32, #tpu.memory_space<vmem>>, %arg6: memref<512x128xf32, #tpu.memory_space<vmem>>, %arg7: memref<!tpu.dma_semaphore, #tpu.memory_space<semaphore_mem>>) attributes {dimension_semantics = [#tpu.dimension_semantics<core_parallel>, #tpu.dimension_semantics<subcore_parallel>], iteration_bounds = array<i64: 2, 16>, scalar_prefetch = 0 : i64, scratch_operands = 3 : i64, tpu.core_type = #tpu.core_type<sc_vector_subcore>, window_params = [{transform_indices = #map}, {transform_indices = #map1}, {transform_indices = #map1}]} {
    %mul3A = arith.constant 2 : i32
    %mul3A_0 = arith.muli %arg1, %mul3A : i32
    %add3A = arith.addi %mul3A_0, %arg0 : i32
    %mul3A_1 = arith.constant 8192 : i32
    %mul3A_2 = arith.muli %add3A, %mul3A_1 : i32
    %scan3A = arith.constant 0 : i32
    %scan3A_3 = arith.constant 0 : i32
    %scan3A_4 = arith.constant 16 : i32
    %scan3A_5 = arith.addi %scan3A_3, %scan3A_4 : i32
    %scan3A_6 = arith.constant 1 : i32
    %scan3A_7 = scf.for %scan3A_9 = %scan3A_3 to %scan3A_5 step %scan3A_6 iter_args(%scan3A_10 = %scan3A) -> (i32)  : i32 {
      %mul3A_11 = arith.constant 512 : i32
      %mul3A_12 = arith.muli %scan3A_9, %mul3A_11 : i32
      %add3A_13 = arith.addi %mul3A_2, %mul3A_12 : i32
      "tpu.region"() ({
        %run_scoped3A = tpu.sem_alloc : memref<!tpu.dma_semaphore, #tpu.memory_space<semaphore_mem>>
        %dma_start3A = tpu.memref_slice %arg2[%add3A_13] : memref<262144xi32, #tpu.memory_space<hbm>> -> memref<512xi32, #tpu.memory_space<hbm>>
        %dma_start3A_22 = tpu.memref_slice %arg2[%add3A_13] : memref<262144xi32, #tpu.memory_space<hbm>> -> memref<512xi32, #tpu.memory_space<hbm>>
        tpu.enqueue_dma source(%dma_start3A_22 : memref<512xi32, #tpu.memory_space<hbm>>) target(%arg5 : memref<512xi32, #tpu.memory_space<vmem>>) target_semaphore(%run_scoped3A : memref<!tpu.dma_semaphore, #tpu.memory_space<semaphore_mem>>)
        %dma_wait3A = tpu.memref_slice %arg2[%add3A_13] : memref<262144xi32, #tpu.memory_space<hbm>> -> memref<512xi32, #tpu.memory_space<hbm>>
        %dma_wait3A_23 = tpu.memref_slice %arg2[%add3A_13] : memref<262144xi32, #tpu.memory_space<hbm>> -> memref<512xi32, #tpu.memory_space<hbm>>
        tpu.wait_dma2 semaphore(%run_scoped3A : memref<!tpu.dma_semaphore, #tpu.memory_space<semaphore_mem>>) src(%dma_wait3A_23 : memref<512xi32, #tpu.memory_space<hbm>>) dst(%arg5 : memref<512xi32, #tpu.memory_space<vmem>>)
        tpu.yield
      }) : () -> ()
      %scan3A_14 = arith.constant 0 : i32
      %scan3A_15 = arith.constant 0 : i32
      %scan3A_16 = arith.constant 4 : i32
      %scan3A_17 = arith.addi %scan3A_15, %scan3A_16 : i32
      %scan3A_18 = arith.constant 1 : i32
      %scan3A_19 = scf.for %scan3A_22 = %scan3A_15 to %scan3A_17 step %scan3A_18 iter_args(%scan3A_23 = %scan3A_14) -> (i32)  : i32 {
        %mul3A_24 = arith.constant 128 : i32
        %mul3A_25 = arith.muli %scan3A_22, %mul3A_24 : i32
        %mul3A_26 = arith.constant 128 : i32
        %mul3A_27 = arith.muli %scan3A_22, %mul3A_26 : i32
        %dma_start3A = arith.constant 0 : i32
        %dma_start3A_28 = tpu.memref_slice %arg6[%mul3A_27, %dma_start3A] : memref<512x128xf32, #tpu.memory_space<vmem>> -> memref<128x128xf32, #tpu.memory_space<vmem>>
        %dma_start3A_29 = tpu.memref_slice %arg5[%mul3A_25] : memref<512xi32, #tpu.memory_space<vmem>> -> memref<128xi32, #tpu.memory_space<vmem>>
        %dma_start3A_30 = arith.constant 0 : i32
        %dma_start3A_31 = arith.constant 0 : i32
        %dma_start3A_32 = tpu.memref_slice %arg3[%dma_start3A_30, %dma_start3A_31] : memref<393216x128xf32, #tpu.memory_space<hbm>> -> memref<393216x128xf32, #tpu.memory_space<hbm>>
        tpu.enqueue_indirect_dma source(%dma_start3A_32 : memref<393216x128xf32, #tpu.memory_space<hbm>>) target(%dma_start3A_28 : memref<128x128xf32, #tpu.memory_space<vmem>>) offsets(%dma_start3A_29 : memref<128xi32, #tpu.memory_space<vmem>>) semaphore(%arg7 : memref<!tpu.dma_semaphore, #tpu.memory_space<semaphore_mem>>)
        %dma_wait3A = arith.constant 0 : i32
        %dma_wait3A_33 = tpu.memref_slice %arg6[%mul3A_27, %dma_wait3A] : memref<512x128xf32, #tpu.memory_space<vmem>> -> memref<128x128xf32, #tpu.memory_space<vmem>>
        %dma_wait3A_34 = tpu.memref_slice %arg5[%mul3A_25] : memref<512xi32, #tpu.memory_space<vmem>> -> memref<128xi32, #tpu.memory_space<vmem>>
        %dma_wait3A_35 = arith.constant 0 : i32
        %dma_wait3A_36 = arith.constant 0 : i32
        %dma_wait3A_37 = tpu.memref_slice %arg3[%dma_wait3A_35, %dma_wait3A_36] : memref<393216x128xf32, #tpu.memory_space<hbm>> -> memref<393216x128xf32, #tpu.memory_space<hbm>>
        tpu.wait_indirect_dma semaphore(%arg7 : memref<!tpu.dma_semaphore, #tpu.memory_space<semaphore_mem>>) src(%dma_wait3A_37 : memref<393216x128xf32, #tpu.memory_space<hbm>>) dst(%dma_wait3A_33 : memref<128x128xf32, #tpu.memory_space<vmem>>)
        %scan3A_38 = arith.constant 0 : i32
        scf.yield %scan3A_38 : i32
      }
      %scan3A_20 = arith.constant 4 : i32
      "tpu.region"() ({
        %run_scoped3A = tpu.sem_alloc : memref<!tpu.dma_semaphore, #tpu.memory_space<semaphore_mem>>
        %dma_start3A = arith.constant 0 : i32
        %dma_start3A_22 = tpu.memref_slice %arg4[%add3A_13, %dma_start3A] : memref<262144x128xf32, #tpu.memory_space<hbm>> -> memref<512x128xf32, #tpu.memory_space<hbm>>
        %dma_start3A_23 = arith.constant 0 : i32
        %dma_start3A_24 = tpu.memref_slice %arg4[%add3A_13, %dma_start3A_23] : memref<262144x128xf32, #tpu.memory_space<hbm>> -> memref<512x128xf32, #tpu.memory_space<hbm>>
        tpu.enqueue_dma source(%arg6 : memref<512x128xf32, #tpu.memory_space<vmem>>) target(%dma_start3A_24 : memref<512x128xf32, #tpu.memory_space<hbm>>) target_semaphore(%run_scoped3A : memref<!tpu.dma_semaphore, #tpu.memory_space<semaphore_mem>>)
        %dma_wait3A = arith.constant 0 : i32
        %dma_wait3A_25 = tpu.memref_slice %arg4[%add3A_13, %dma_wait3A] : memref<262144x128xf32, #tpu.memory_space<hbm>> -> memref<512x128xf32, #tpu.memory_space<hbm>>
        %dma_wait3A_26 = arith.constant 0 : i32
        %dma_wait3A_27 = tpu.memref_slice %arg4[%add3A_13, %dma_wait3A_26] : memref<262144x128xf32, #tpu.memory_space<hbm>> -> memref<512x128xf32, #tpu.memory_space<hbm>>
        tpu.wait_dma2 semaphore(%run_scoped3A : memref<!tpu.dma_semaphore, #tpu.memory_space<semaphore_mem>>) src(%arg6 : memref<512x128xf32, #tpu.memory_space<vmem>>) dst(%dma_wait3A_27 : memref<512x128xf32, #tpu.memory_space<hbm>>)
        tpu.yield
      }) : () -> ()
      %scan3A_21 = arith.constant 0 : i32
      scf.yield %scan3A_21 : i32
    }
    %scan3A_8 = arith.constant 16 : i32
    return
  }
}

module attributes {stable_mosaic.version = 14 : i64} {
  func.func @_base_body(%arg0: i32, %arg1: memref<2048x1xi32, #tpu.memory_space<vmem>>, %arg2: memref<2048x1xi32, #tpu.memory_space<vmem>>, %arg3: memref<200x128xf32, #tpu.memory_space<vmem>>, %arg4: memref<32x128xf32, #tpu.memory_space<vmem>>, %arg5: memref<64x128xf32, #tpu.memory_space<vmem>>, %arg6: memref<32x128xf32, #tpu.memory_space<vmem>>, %arg7: memref<64x128xf32, #tpu.memory_space<vmem>>, %arg8: memref<1x128xf32, #tpu.memory_space<vmem>>, %arg9: memref<2048x128xf32, #tpu.memory_space<vmem>>) attributes {dimension_semantics = [#tpu.dimension_semantics<arbitrary>], iteration_bounds = array<i64: 128>, scalar_prefetch = 0 : i64, scratch_operands = 0 : i64, tpu.core_type = #tpu.core_type<tc>, window_params = [{transform_indices = @transform_0, window_bounds = array<i64: 2048, 1>}, {transform_indices = @transform_1, window_bounds = array<i64: 2048, 1>}, {pipeline_mode = #tpu.pipeline_mode<synchronous>, transform_indices = @transform_2, window_bounds = array<i64: 200, 128>}, {pipeline_mode = #tpu.pipeline_mode<synchronous>, transform_indices = @transform_3, window_bounds = array<i64: 32, 128>}, {pipeline_mode = #tpu.pipeline_mode<synchronous>, transform_indices = @transform_4, window_bounds = array<i64: 64, 128>}, {pipeline_mode = #tpu.pipeline_mode<synchronous>, transform_indices = @transform_5, window_bounds = array<i64: 32, 128>}, {pipeline_mode = #tpu.pipeline_mode<synchronous>, transform_indices = @transform_6, window_bounds = array<i64: 64, 128>}, {pipeline_mode = #tpu.pipeline_mode<synchronous>, transform_indices = @transform_7, window_bounds = array<i64: 1, 128>}, {transform_indices = @transform_8, window_bounds = array<i64: 2048, 128>}]} {
    %get3A = arith.constant 0 : index
    %get3A_0 = arith.constant 0 : index
    %get3A_1 = vector.load %arg1[%get3A, %get3A_0] : memref<2048x1xi32, #tpu.memory_space<vmem>>, vector<2048x1xi32>
    %get3A_2 = arith.constant 0 : index
    %get3A_3 = arith.constant 0 : index
    %get3A_4 = vector.load %arg2[%get3A_2, %get3A_3] : memref<2048x1xi32, #tpu.memory_space<vmem>>, vector<2048x1xi32>
    %and3A = arith.constant 255 : i32
    %and3A_5 = vector.broadcast %and3A : i32 to vector<2048x1xi32>
    %and3A_6 = arith.andi %get3A_1, %and3A_5 : vector<2048x1xi32>
    %shift_right_arithmetic3A = arith.constant 8 : i32
    %shift_right_arithmetic3A_7 = vector.broadcast %shift_right_arithmetic3A : i32 to vector<2048x1xi32>
    %shift_right_arithmetic3A_8 = arith.shrsi %get3A_1, %shift_right_arithmetic3A_7 : vector<2048x1xi32>
    %and3A_9 = arith.constant 31 : i32
    %and3A_10 = vector.broadcast %and3A_9 : i32 to vector<2048x1xi32>
    %and3A_11 = arith.andi %shift_right_arithmetic3A_8, %and3A_10 : vector<2048x1xi32>
    %shift_right_arithmetic3A_12 = arith.constant 13 : i32
    %shift_right_arithmetic3A_13 = vector.broadcast %shift_right_arithmetic3A_12 : i32 to vector<2048x1xi32>
    %shift_right_arithmetic3A_14 = arith.shrsi %get3A_1, %shift_right_arithmetic3A_13 : vector<2048x1xi32>
    %and3A_15 = arith.constant 63 : i32
    %and3A_16 = vector.broadcast %and3A_15 : i32 to vector<2048x1xi32>
    %and3A_17 = arith.andi %shift_right_arithmetic3A_14, %and3A_16 : vector<2048x1xi32>
    %shift_right_arithmetic3A_18 = arith.constant 19 : i32
    %shift_right_arithmetic3A_19 = vector.broadcast %shift_right_arithmetic3A_18 : i32 to vector<2048x1xi32>
    %shift_right_arithmetic3A_20 = arith.shrsi %get3A_1, %shift_right_arithmetic3A_19 : vector<2048x1xi32>
    %and3A_21 = arith.constant 31 : i32
    %and3A_22 = vector.broadcast %and3A_21 : i32 to vector<2048x1xi32>
    %and3A_23 = arith.andi %shift_right_arithmetic3A_20, %and3A_22 : vector<2048x1xi32>
    %and3A_24 = arith.constant 63 : i32
    %and3A_25 = vector.broadcast %and3A_24 : i32 to vector<2048x1xi32>
    %and3A_26 = arith.andi %get3A_4, %and3A_25 : vector<2048x1xi32>
    %shift_right_arithmetic3A_27 = arith.constant 6 : i32
    %shift_right_arithmetic3A_28 = vector.broadcast %shift_right_arithmetic3A_27 : i32 to vector<2048x1xi32>
    %shift_right_arithmetic3A_29 = arith.shrsi %get3A_4, %shift_right_arithmetic3A_28 : vector<2048x1xi32>
    %and3A_30 = arith.constant 63 : i32
    %and3A_31 = vector.broadcast %and3A_30 : i32 to vector<2048x1xi32>
    %and3A_32 = arith.andi %shift_right_arithmetic3A_29, %and3A_31 : vector<2048x1xi32>
    %eq3A = arith.constant 0 : i32
    %eq3A_33 = vector.broadcast %eq3A : i32 to vector<2048x1xi32>
    %eq3A_34 = arith.cmpi eq, %and3A_17, %eq3A_33 : vector<2048x1xi32>
    %iota3A = tpu.iota {dimensions = array<i32: 1>} : vector<2048x200xi32>
    %eq3A_35 = vector.broadcast %and3A_6 : vector<2048x1xi32> to vector<2048x200xi32>
    %eq3A_36 = arith.cmpi eq, %eq3A_35, %iota3A : vector<2048x200xi32>
    %convert_element_type3A = arith.extui %eq3A_36 : vector<2048x200xi1> to vector<2048x200xi32>
    %convert_element_type3A_37 = arith.sitofp %convert_element_type3A : vector<2048x200xi32> to vector<2048x200xf32>
    %get3A_38 = arith.constant 0 : index
    %get3A_39 = arith.constant 0 : index
    %get3A_40 = vector.load %arg3[%get3A_38, %get3A_39] : memref<200x128xf32, #tpu.memory_space<vmem>>, vector<200x128xf32>
    %dot_general3A = arith.constant dense<0.000000e+00> : vector<2048x128xf32>
    %dot_general3A_41 = tpu.matmul %convert_element_type3A_37, %get3A_40, %dot_general3A {dimension_numbers = #tpu.dot_dimension_numbers<[1], [0], [0], [1], [0, 0, 1, 1], [], []>, transpose_lhs_hint = false} : vector<2048x200xf32>, vector<200x128xf32>, vector<2048x128xf32> -> vector<2048x128xf32>
    %iota3A_42 = tpu.iota {dimensions = array<i32: 1>} : vector<2048x32xi32>
    %eq3A_43 = vector.broadcast %and3A_11 : vector<2048x1xi32> to vector<2048x32xi32>
    %eq3A_44 = arith.cmpi eq, %eq3A_43, %iota3A_42 : vector<2048x32xi32>
    %convert_element_type3A_45 = arith.extui %eq3A_44 : vector<2048x32xi1> to vector<2048x32xi32>
    %convert_element_type3A_46 = arith.sitofp %convert_element_type3A_45 : vector<2048x32xi32> to vector<2048x32xf32>
    %get3A_47 = arith.constant 0 : index
    %get3A_48 = arith.constant 0 : index
    %get3A_49 = vector.load %arg4[%get3A_47, %get3A_48] : memref<32x128xf32, #tpu.memory_space<vmem>>, vector<32x128xf32>
    %dot_general3A_50 = arith.constant dense<0.000000e+00> : vector<2048x128xf32>
    %dot_general3A_51 = tpu.matmul %convert_element_type3A_46, %get3A_49, %dot_general3A_50 {dimension_numbers = #tpu.dot_dimension_numbers<[1], [0], [0], [1], [0, 0, 1, 1], [], []>, transpose_lhs_hint = false} : vector<2048x32xf32>, vector<32x128xf32>, vector<2048x128xf32> -> vector<2048x128xf32>
    %iota3A_52 = tpu.iota {dimensions = array<i32: 1>} : vector<2048x64xi32>
    %eq3A_53 = vector.broadcast %and3A_17 : vector<2048x1xi32> to vector<2048x64xi32>
    %eq3A_54 = arith.cmpi eq, %eq3A_53, %iota3A_52 : vector<2048x64xi32>
    %convert_element_type3A_55 = arith.extui %eq3A_54 : vector<2048x64xi1> to vector<2048x64xi32>
    %convert_element_type3A_56 = arith.sitofp %convert_element_type3A_55 : vector<2048x64xi32> to vector<2048x64xf32>
    %get3A_57 = arith.constant 0 : index
    %get3A_58 = arith.constant 0 : index
    %get3A_59 = vector.load %arg5[%get3A_57, %get3A_58] : memref<64x128xf32, #tpu.memory_space<vmem>>, vector<64x128xf32>
    %dot_general3A_60 = arith.constant dense<0.000000e+00> : vector<2048x128xf32>
    %dot_general3A_61 = tpu.matmul %convert_element_type3A_56, %get3A_59, %dot_general3A_60 {dimension_numbers = #tpu.dot_dimension_numbers<[1], [0], [0], [1], [0, 0, 1, 1], [], []>, transpose_lhs_hint = false} : vector<2048x64xf32>, vector<64x128xf32>, vector<2048x128xf32> -> vector<2048x128xf32>
    %add3A = arith.addf %dot_general3A_51, %dot_general3A_61 : vector<2048x128xf32>
    %broadcast_in_dim3A = vector.shape_cast %eq3A_34 : vector<2048x1xi1> to vector<2048x1xi1>
    %broadcast_in_dim3A_62 = vector.broadcast %broadcast_in_dim3A : vector<2048x1xi1> to vector<2048x128xi1>
    %select_n3A = arith.select %broadcast_in_dim3A_62, %dot_general3A_41, %add3A : vector<2048x128xi1>, vector<2048x128xf32>
    %iota3A_63 = tpu.iota {dimensions = array<i32: 1>} : vector<2048x32xi32>
    %eq3A_64 = vector.broadcast %and3A_23 : vector<2048x1xi32> to vector<2048x32xi32>
    %eq3A_65 = arith.cmpi eq, %eq3A_64, %iota3A_63 : vector<2048x32xi32>
    %convert_element_type3A_66 = arith.extui %eq3A_65 : vector<2048x32xi1> to vector<2048x32xi32>
    %convert_element_type3A_67 = arith.sitofp %convert_element_type3A_66 : vector<2048x32xi32> to vector<2048x32xf32>
    %get3A_68 = arith.constant 0 : index
    %get3A_69 = arith.constant 0 : index
    %get3A_70 = vector.load %arg6[%get3A_68, %get3A_69] : memref<32x128xf32, #tpu.memory_space<vmem>>, vector<32x128xf32>
    %dot_general3A_71 = arith.constant dense<0.000000e+00> : vector<2048x128xf32>
    %dot_general3A_72 = tpu.matmul %convert_element_type3A_67, %get3A_70, %dot_general3A_71 {dimension_numbers = #tpu.dot_dimension_numbers<[1], [0], [0], [1], [0, 0, 1, 1], [], []>, transpose_lhs_hint = false} : vector<2048x32xf32>, vector<32x128xf32>, vector<2048x128xf32> -> vector<2048x128xf32>
    %add3A_73 = arith.addf %select_n3A, %dot_general3A_72 : vector<2048x128xf32>
    %iota3A_74 = tpu.iota {dimensions = array<i32: 1>} : vector<2048x64xi32>
    %eq3A_75 = vector.broadcast %and3A_26 : vector<2048x1xi32> to vector<2048x64xi32>
    %eq3A_76 = arith.cmpi eq, %eq3A_75, %iota3A_74 : vector<2048x64xi32>
    %convert_element_type3A_77 = arith.extui %eq3A_76 : vector<2048x64xi1> to vector<2048x64xi32>
    %convert_element_type3A_78 = arith.sitofp %convert_element_type3A_77 : vector<2048x64xi32> to vector<2048x64xf32>
    %iota3A_79 = tpu.iota {dimensions = array<i32: 1>} : vector<2048x64xi32>
    %eq3A_80 = vector.broadcast %and3A_32 : vector<2048x1xi32> to vector<2048x64xi32>
    %eq3A_81 = arith.cmpi eq, %eq3A_80, %iota3A_79 : vector<2048x64xi32>
    %convert_element_type3A_82 = arith.extui %eq3A_81 : vector<2048x64xi1> to vector<2048x64xi32>
    %convert_element_type3A_83 = arith.sitofp %convert_element_type3A_82 : vector<2048x64xi32> to vector<2048x64xf32>
    %add3A_84 = arith.addf %convert_element_type3A_78, %convert_element_type3A_83 : vector<2048x64xf32>
    %get3A_85 = arith.constant 0 : index
    %get3A_86 = arith.constant 0 : index
    %get3A_87 = vector.load %arg7[%get3A_85, %get3A_86] : memref<64x128xf32, #tpu.memory_space<vmem>>, vector<64x128xf32>
    %dot_general3A_88 = arith.constant dense<0.000000e+00> : vector<2048x128xf32>
    %dot_general3A_89 = tpu.matmul %add3A_84, %get3A_87, %dot_general3A_88 {dimension_numbers = #tpu.dot_dimension_numbers<[1], [0], [0], [1], [0, 0, 1, 1], [], []>, transpose_lhs_hint = false} : vector<2048x64xf32>, vector<64x128xf32>, vector<2048x128xf32> -> vector<2048x128xf32>
    %add3A_90 = arith.addf %add3A_73, %dot_general3A_89 : vector<2048x128xf32>
    %get3A_91 = arith.constant 0 : index
    %get3A_92 = arith.constant 0 : index
    %get3A_93 = vector.load %arg8[%get3A_91, %get3A_92] : memref<1x128xf32, #tpu.memory_space<vmem>>, vector<1x128xf32>
    %add3A_94 = vector.broadcast %get3A_93 : vector<1x128xf32> to vector<2048x128xf32>
    %add3A_95 = arith.addf %add3A_90, %add3A_94 : vector<2048x128xf32>
    %max3A = arith.constant 0.000000e+00 : f32
    %max3A_96 = vector.broadcast %max3A : f32 to vector<2048x128xf32>
    %max3A_97 = arith.maximumf %add3A_95, %max3A_96 : vector<2048x128xf32>
    %swap3A = arith.constant 0 : index
    %swap3A_98 = arith.constant 0 : index
    %swap3A_99 = vector.load %arg9[%swap3A, %swap3A_98] : memref<2048x128xf32, #tpu.memory_space<vmem>>, vector<2048x128xf32>
    tpu.vector_store %arg9[%swap3A, %swap3A_98], %max3A_97 {strides = array<i32>} : memref<2048x128xf32, #tpu.memory_space<vmem>>, vector<2048x128xf32>,
    return
  }
  func.func @transform_0(%arg0: i32) -> (i32, i32) {
    %c0_i32 = arith.constant 0 : i32
    %c0_i32_0 = arith.constant 0 : i32
    return %arg0, %c0_i32 : i32, i32
  }
  func.func @transform_1(%arg0: i32) -> (i32, i32) {
    %c0_i32 = arith.constant 0 : i32
    %c0_i32_0 = arith.constant 0 : i32
    return %arg0, %c0_i32 : i32, i32
  }
  func.func @transform_2(%arg0: i32) -> (i32, i32) {
    %c0_i32 = arith.constant 0 : i32
    %c0_i32_0 = arith.constant 0 : i32
    %c0_i32_1 = arith.constant 0 : i32
    return %c0_i32, %c0_i32_0 : i32, i32
  }
  func.func @transform_3(%arg0: i32) -> (i32, i32) {
    %c0_i32 = arith.constant 0 : i32
    %c0_i32_0 = arith.constant 0 : i32
    %c0_i32_1 = arith.constant 0 : i32
    return %c0_i32, %c0_i32_0 : i32, i32
  }
  func.func @transform_4(%arg0: i32) -> (i32, i32) {
    %c0_i32 = arith.constant 0 : i32
    %c0_i32_0 = arith.constant 0 : i32
    %c0_i32_1 = arith.constant 0 : i32
    return %c0_i32, %c0_i32_0 : i32, i32
  }
  func.func @transform_5(%arg0: i32) -> (i32, i32) {
    %c0_i32 = arith.constant 0 : i32
    %c0_i32_0 = arith.constant 0 : i32
    %c0_i32_1 = arith.constant 0 : i32
    return %c0_i32, %c0_i32_0 : i32, i32
  }
  func.func @transform_6(%arg0: i32) -> (i32, i32) {
    %c0_i32 = arith.constant 0 : i32
    %c0_i32_0 = arith.constant 0 : i32
    %c0_i32_1 = arith.constant 0 : i32
    return %c0_i32, %c0_i32_0 : i32, i32
  }
  func.func @transform_7(%arg0: i32) -> (i32, i32) {
    %c0_i32 = arith.constant 0 : i32
    %c0_i32_0 = arith.constant 0 : i32
    %c0_i32_1 = arith.constant 0 : i32
    return %c0_i32, %c0_i32_0 : i32, i32
  }
  func.func @transform_8(%arg0: i32) -> (i32, i32) {
    %add3A = arith.constant 64 : i32
    %add3A_0 = arith.addi %arg0, %add3A : i32
    %c0_i32 = arith.constant 0 : i32
    %c0_i32_1 = arith.constant 0 : i32
    return %add3A_0, %c0_i32 : i32, i32
  }
}

module attributes {stable_mosaic.version = 14 : i64} {
  func.func @_leaf_body(%arg0: i32, %arg1: memref<393216x128xf32, #tpu.memory_space<any>>, %arg2: memref<2048x1xi32, #tpu.memory_space<vmem>>, %arg3: memref<2048x1xi32, #tpu.memory_space<vmem>>, %arg4: memref<2048x128xf32, #tpu.memory_space<vmem>>, %arg5: memref<2048x1xi32, #tpu.memory_space<vmem>>, %arg6: memref<128x128xf32, #tpu.memory_space<vmem>>, %arg7: memref<1x200x128xf32, #tpu.memory_space<vmem>>, %arg8: memref<1x32x128xf32, #tpu.memory_space<vmem>>, %arg9: memref<1x64x128xf32, #tpu.memory_space<vmem>>, %arg10: memref<1x32x128xf32, #tpu.memory_space<vmem>>, %arg11: memref<1x64x128xf32, #tpu.memory_space<vmem>>, %arg12: memref<1x16x128xf32, #tpu.memory_space<vmem>>, %arg13: memref<1x1x128xf32, #tpu.memory_space<vmem>>, %arg14: memref<2048x128xf32, #tpu.memory_space<vmem>>) attributes {dimension_semantics = [#tpu.dimension_semantics<arbitrary>], iteration_bounds = array<i64: 64>, scalar_prefetch = 0 : i64, scratch_operands = 0 : i64, tpu.core_type = #tpu.core_type<tc>, window_params = [{}, {transform_indices = @transform_1, window_bounds = array<i64: 2048, 1>}, {transform_indices = @transform_2, window_bounds = array<i64: 2048, 1>}, {transform_indices = @transform_3, window_bounds = array<i64: 2048, 128>}, {transform_indices = @transform_4, window_bounds = array<i64: 2048, 1>}, {pipeline_mode = #tpu.pipeline_mode<synchronous>, transform_indices = @transform_5, window_bounds = array<i64: 128, 128>}, {transform_indices = @transform_6, window_bounds = array<i64: 1, 200, 128>}, {transform_indices = @transform_7, window_bounds = array<i64: 1, 32, 128>}, {transform_indices = @transform_8, window_bounds = array<i64: 1, 64, 128>}, {transform_indices = @transform_9, window_bounds = array<i64: 1, 32, 128>}, {transform_indices = @transform_10, window_bounds = array<i64: 1, 64, 128>}, {transform_indices = @transform_11, window_bounds = array<i64: 1, 16, 128>}, {transform_indices = @transform_12, window_bounds = array<i64: 1, 1, 128>}, {transform_indices = @transform_13, window_bounds = array<i64: 2048, 128>}]} {
    %get3A = arith.constant 0 : index
    %get3A_0 = arith.constant 0 : index
    %get3A_1 = vector.load %arg2[%get3A, %get3A_0] : memref<2048x1xi32, #tpu.memory_space<vmem>>, vector<2048x1xi32>
    %get3A_2 = arith.constant 0 : index
    %get3A_3 = arith.constant 0 : index
    %get3A_4 = vector.load %arg3[%get3A_2, %get3A_3] : memref<2048x1xi32, #tpu.memory_space<vmem>>, vector<2048x1xi32>
    %and3A = arith.constant 255 : i32
    %and3A_5 = vector.broadcast %and3A : i32 to vector<2048x1xi32>
    %and3A_6 = arith.andi %get3A_1, %and3A_5 : vector<2048x1xi32>
    %shift_right_arithmetic3A = arith.constant 8 : i32
    %shift_right_arithmetic3A_7 = vector.broadcast %shift_right_arithmetic3A : i32 to vector<2048x1xi32>
    %shift_right_arithmetic3A_8 = arith.shrsi %get3A_1, %shift_right_arithmetic3A_7 : vector<2048x1xi32>
    %and3A_9 = arith.constant 31 : i32
    %and3A_10 = vector.broadcast %and3A_9 : i32 to vector<2048x1xi32>
    %and3A_11 = arith.andi %shift_right_arithmetic3A_8, %and3A_10 : vector<2048x1xi32>
    %shift_right_arithmetic3A_12 = arith.constant 13 : i32
    %shift_right_arithmetic3A_13 = vector.broadcast %shift_right_arithmetic3A_12 : i32 to vector<2048x1xi32>
    %shift_right_arithmetic3A_14 = arith.shrsi %get3A_1, %shift_right_arithmetic3A_13 : vector<2048x1xi32>
    %and3A_15 = arith.constant 63 : i32
    %and3A_16 = vector.broadcast %and3A_15 : i32 to vector<2048x1xi32>
    %and3A_17 = arith.andi %shift_right_arithmetic3A_14, %and3A_16 : vector<2048x1xi32>
    %shift_right_arithmetic3A_18 = arith.constant 19 : i32
    %shift_right_arithmetic3A_19 = vector.broadcast %shift_right_arithmetic3A_18 : i32 to vector<2048x1xi32>
    %shift_right_arithmetic3A_20 = arith.shrsi %get3A_1, %shift_right_arithmetic3A_19 : vector<2048x1xi32>
    %and3A_21 = arith.constant 31 : i32
    %and3A_22 = vector.broadcast %and3A_21 : i32 to vector<2048x1xi32>
    %and3A_23 = arith.andi %shift_right_arithmetic3A_20, %and3A_22 : vector<2048x1xi32>
    %and3A_24 = arith.constant 63 : i32
    %and3A_25 = vector.broadcast %and3A_24 : i32 to vector<2048x1xi32>
    %and3A_26 = arith.andi %get3A_4, %and3A_25 : vector<2048x1xi32>
    %shift_right_arithmetic3A_27 = arith.constant 6 : i32
    %shift_right_arithmetic3A_28 = vector.broadcast %shift_right_arithmetic3A_27 : i32 to vector<2048x1xi32>
    %shift_right_arithmetic3A_29 = arith.shrsi %get3A_4, %shift_right_arithmetic3A_28 : vector<2048x1xi32>
    %and3A_30 = arith.constant 63 : i32
    %and3A_31 = vector.broadcast %and3A_30 : i32 to vector<2048x1xi32>
    %and3A_32 = arith.andi %shift_right_arithmetic3A_29, %and3A_31 : vector<2048x1xi32>
    %eq3A = arith.constant 0 : i32
    %eq3A_33 = vector.broadcast %eq3A : i32 to vector<2048x1xi32>
    %eq3A_34 = arith.cmpi eq, %and3A_17, %eq3A_33 : vector<2048x1xi32>
    %iota3A = tpu.iota {dimensions = array<i32: 1>} : vector<2048x200xi32>
    %eq3A_35 = vector.broadcast %and3A_6 : vector<2048x1xi32> to vector<2048x200xi32>
    %eq3A_36 = arith.cmpi eq, %eq3A_35, %iota3A : vector<2048x200xi32>
    %convert_element_type3A = arith.extui %eq3A_36 : vector<2048x200xi1> to vector<2048x200xi32>
    %convert_element_type3A_37 = arith.sitofp %convert_element_type3A : vector<2048x200xi32> to vector<2048x200xf32>
    %get3A_38 = arith.constant 0 : index
    %get3A_39 = arith.constant 0 : index
    %get3A_40 = arith.constant 0 : index
    %get3A_41 = vector.load %arg7[%get3A_38, %get3A_39, %get3A_40] : memref<1x200x128xf32, #tpu.memory_space<vmem>>, vector<1x200x128xf32>
    %get3A_42 = vector.shape_cast %get3A_41 : vector<1x200x128xf32> to vector<200x128xf32>
    %dot_general3A = arith.constant dense<0.000000e+00> : vector<2048x128xf32>
    %dot_general3A_43 = tpu.matmul %convert_element_type3A_37, %get3A_42, %dot_general3A {dimension_numbers = #tpu.dot_dimension_numbers<[1], [0], [0], [1], [0, 0, 1, 1], [], []>, transpose_lhs_hint = false} : vector<2048x200xf32>, vector<200x128xf32>, vector<2048x128xf32> -> vector<2048x128xf32>
    %iota3A_44 = tpu.iota {dimensions = array<i32: 1>} : vector<2048x32xi32>
    %eq3A_45 = vector.broadcast %and3A_11 : vector<2048x1xi32> to vector<2048x32xi32>
    %eq3A_46 = arith.cmpi eq, %eq3A_45, %iota3A_44 : vector<2048x32xi32>
    %convert_element_type3A_47 = arith.extui %eq3A_46 : vector<2048x32xi1> to vector<2048x32xi32>
    %convert_element_type3A_48 = arith.sitofp %convert_element_type3A_47 : vector<2048x32xi32> to vector<2048x32xf32>
    %get3A_49 = arith.constant 0 : index
    %get3A_50 = arith.constant 0 : index
    %get3A_51 = arith.constant 0 : index
    %get3A_52 = vector.load %arg8[%get3A_49, %get3A_50, %get3A_51] : memref<1x32x128xf32, #tpu.memory_space<vmem>>, vector<1x32x128xf32>
    %get3A_53 = vector.shape_cast %get3A_52 : vector<1x32x128xf32> to vector<32x128xf32>
    %dot_general3A_54 = arith.constant dense<0.000000e+00> : vector<2048x128xf32>
    %dot_general3A_55 = tpu.matmul %convert_element_type3A_48, %get3A_53, %dot_general3A_54 {dimension_numbers = #tpu.dot_dimension_numbers<[1], [0], [0], [1], [0, 0, 1, 1], [], []>, transpose_lhs_hint = false} : vector<2048x32xf32>, vector<32x128xf32>, vector<2048x128xf32> -> vector<2048x128xf32>
    %iota3A_56 = tpu.iota {dimensions = array<i32: 1>} : vector<2048x64xi32>
    %eq3A_57 = vector.broadcast %and3A_17 : vector<2048x1xi32> to vector<2048x64xi32>
    %eq3A_58 = arith.cmpi eq, %eq3A_57, %iota3A_56 : vector<2048x64xi32>
    %convert_element_type3A_59 = arith.extui %eq3A_58 : vector<2048x64xi1> to vector<2048x64xi32>
    %convert_element_type3A_60 = arith.sitofp %convert_element_type3A_59 : vector<2048x64xi32> to vector<2048x64xf32>
    %get3A_61 = arith.constant 0 : index
    %get3A_62 = arith.constant 0 : index
    %get3A_63 = arith.constant 0 : index
    %get3A_64 = vector.load %arg9[%get3A_61, %get3A_62, %get3A_63] : memref<1x64x128xf32, #tpu.memory_space<vmem>>, vector<1x64x128xf32>
    %get3A_65 = vector.shape_cast %get3A_64 : vector<1x64x128xf32> to vector<64x128xf32>
    %dot_general3A_66 = arith.constant dense<0.000000e+00> : vector<2048x128xf32>
    %dot_general3A_67 = tpu.matmul %convert_element_type3A_60, %get3A_65, %dot_general3A_66 {dimension_numbers = #tpu.dot_dimension_numbers<[1], [0], [0], [1], [0, 0, 1, 1], [], []>, transpose_lhs_hint = false} : vector<2048x64xf32>, vector<64x128xf32>, vector<2048x128xf32> -> vector<2048x128xf32>
    %add3A = arith.addf %dot_general3A_55, %dot_general3A_67 : vector<2048x128xf32>
    %broadcast_in_dim3A = vector.shape_cast %eq3A_34 : vector<2048x1xi1> to vector<2048x1xi1>
    %broadcast_in_dim3A_68 = vector.broadcast %broadcast_in_dim3A : vector<2048x1xi1> to vector<2048x128xi1>
    %select_n3A = arith.select %broadcast_in_dim3A_68, %dot_general3A_43, %add3A : vector<2048x128xi1>, vector<2048x128xf32>
    %iota3A_69 = tpu.iota {dimensions = array<i32: 1>} : vector<2048x32xi32>
    %eq3A_70 = vector.broadcast %and3A_23 : vector<2048x1xi32> to vector<2048x32xi32>
    %eq3A_71 = arith.cmpi eq, %eq3A_70, %iota3A_69 : vector<2048x32xi32>
    %convert_element_type3A_72 = arith.extui %eq3A_71 : vector<2048x32xi1> to vector<2048x32xi32>
    %convert_element_type3A_73 = arith.sitofp %convert_element_type3A_72 : vector<2048x32xi32> to vector<2048x32xf32>
    %get3A_74 = arith.constant 0 : index
    %get3A_75 = arith.constant 0 : index
    %get3A_76 = arith.constant 0 : index
    %get3A_77 = vector.load %arg10[%get3A_74, %get3A_75, %get3A_76] : memref<1x32x128xf32, #tpu.memory_space<vmem>>, vector<1x32x128xf32>
    %get3A_78 = vector.shape_cast %get3A_77 : vector<1x32x128xf32> to vector<32x128xf32>
    %dot_general3A_79 = arith.constant dense<0.000000e+00> : vector<2048x128xf32>
    %dot_general3A_80 = tpu.matmul %convert_element_type3A_73, %get3A_78, %dot_general3A_79 {dimension_numbers = #tpu.dot_dimension_numbers<[1], [0], [0], [1], [0, 0, 1, 1], [], []>, transpose_lhs_hint = false} : vector<2048x32xf32>, vector<32x128xf32>, vector<2048x128xf32> -> vector<2048x128xf32>
    %add3A_81 = arith.addf %select_n3A, %dot_general3A_80 : vector<2048x128xf32>
    %iota3A_82 = tpu.iota {dimensions = array<i32: 1>} : vector<2048x64xi32>
    %eq3A_83 = vector.broadcast %and3A_26 : vector<2048x1xi32> to vector<2048x64xi32>
    %eq3A_84 = arith.cmpi eq, %eq3A_83, %iota3A_82 : vector<2048x64xi32>
    %convert_element_type3A_85 = arith.extui %eq3A_84 : vector<2048x64xi1> to vector<2048x64xi32>
    %convert_element_type3A_86 = arith.sitofp %convert_element_type3A_85 : vector<2048x64xi32> to vector<2048x64xf32>
    %iota3A_87 = tpu.iota {dimensions = array<i32: 1>} : vector<2048x64xi32>
    %eq3A_88 = vector.broadcast %and3A_32 : vector<2048x1xi32> to vector<2048x64xi32>
    %eq3A_89 = arith.cmpi eq, %eq3A_88, %iota3A_87 : vector<2048x64xi32>
    %convert_element_type3A_90 = arith.extui %eq3A_89 : vector<2048x64xi1> to vector<2048x64xi32>
    %convert_element_type3A_91 = arith.sitofp %convert_element_type3A_90 : vector<2048x64xi32> to vector<2048x64xf32>
    %add3A_92 = arith.addf %convert_element_type3A_86, %convert_element_type3A_91 : vector<2048x64xf32>
    %get3A_93 = arith.constant 0 : index
    %get3A_94 = arith.constant 0 : index
    %get3A_95 = arith.constant 0 : index
    %get3A_96 = vector.load %arg11[%get3A_93, %get3A_94, %get3A_95] : memref<1x64x128xf32, #tpu.memory_space<vmem>>, vector<1x64x128xf32>
    %get3A_97 = vector.shape_cast %get3A_96 : vector<1x64x128xf32> to vector<64x128xf32>
    %dot_general3A_98 = arith.constant dense<0.000000e+00> : vector<2048x128xf32>
    %dot_general3A_99 = tpu.matmul %add3A_92, %get3A_97, %dot_general3A_98 {dimension_numbers = #tpu.dot_dimension_numbers<[1], [0], [0], [1], [0, 0, 1, 1], [], []>, transpose_lhs_hint = false} : vector<2048x64xf32>, vector<64x128xf32>, vector<2048x128xf32> -> vector<2048x128xf32>
    %add3A_100 = arith.addf %add3A_81, %dot_general3A_99 : vector<2048x128xf32>
    %get3A_101 = arith.constant 0 : index
    %get3A_102 = arith.constant 0 : index
    %get3A_103 = arith.constant 0 : index
    %get3A_104 = vector.load %arg13[%get3A_101, %get3A_102, %get3A_103] : memref<1x1x128xf32, #tpu.memory_space<vmem>>, vector<1x1x128xf32>
    %get3A_105 = vector.shape_cast %get3A_104 : vector<1x1x128xf32> to vector<1x128xf32>
    %add3A_106 = vector.broadcast %get3A_105 : vector<1x128xf32> to vector<2048x128xf32>
    %add3A_107 = arith.addf %add3A_100, %add3A_106 : vector<2048x128xf32>
    %lt3A = arith.constant 32 : i32
    %lt3A_108 = arith.cmpi slt, %arg0, %lt3A : i32
    %convert_element_type3A_109 = arith.extui %lt3A_108 : i1 to i32
    %cond3A = arith.constant 0 : i32
    %cond3A_110 = arith.cmpi ne, %convert_element_type3A_109, %cond3A : i32
    scf.if %cond3A_110 {
      %get3A_115 = arith.constant 0 : index
      %get3A_116 = arith.constant 0 : index
      %get3A_117 = vector.load %arg4[%get3A_115, %get3A_116] : memref<2048x128xf32, #tpu.memory_space<vmem>>, vector<2048x128xf32>
      %get3A_118 = arith.constant 0 : index
      %get3A_119 = arith.constant 0 : index
      %get3A_120 = vector.load %arg6[%get3A_118, %get3A_119] : memref<128x128xf32, #tpu.memory_space<vmem>>, vector<128x128xf32>
      %dot_general3A_121 = arith.constant dense<0.000000e+00> : vector<2048x128xf32>
      %dot_general3A_122 = tpu.matmul %get3A_117, %get3A_120, %dot_general3A_121 {dimension_numbers = #tpu.dot_dimension_numbers<[1], [0], [0], [1], [0, 0, 1, 1], [], []>, transpose_lhs_hint = false} : vector<2048x128xf32>, vector<128x128xf32>, vector<2048x128xf32> -> vector<2048x128xf32>
      %add3A_123 = arith.addf %add3A_107, %dot_general3A_122 : vector<2048x128xf32>
      %max3A = arith.constant 0.000000e+00 : f32
      %max3A_124 = vector.broadcast %max3A : f32 to vector<2048x128xf32>
      %max3A_125 = arith.maximumf %add3A_123, %max3A_124 : vector<2048x128xf32>
      %swap3A = arith.constant 0 : index
      %swap3A_126 = arith.constant 0 : index
      %swap3A_127 = vector.load %arg14[%swap3A, %swap3A_126] : memref<2048x128xf32, #tpu.memory_space<vmem>>, vector<2048x128xf32>
      tpu.vector_store %arg14[%swap3A, %swap3A_126], %max3A_125 {strides = array<i32>} : memref<2048x128xf32, #tpu.memory_space<vmem>>, vector<2048x128xf32>,
    } else {
    }
    %ge3A = arith.constant 32 : i32
    %ge3A_111 = arith.cmpi sge, %arg0, %ge3A : i32
    %convert_element_type3A_112 = arith.extui %ge3A_111 : i1 to i32
    %cond3A_113 = arith.constant 0 : i32
    %cond3A_114 = arith.cmpi ne, %convert_element_type3A_112, %cond3A_113 : i32
    scf.if %cond3A_114 {
      %get3A_115 = arith.constant 0 : index
      %get3A_116 = arith.constant 0 : index
      %get3A_117 = vector.load %arg5[%get3A_115, %get3A_116] : memref<2048x1xi32, #tpu.memory_space<vmem>>, vector<2048x1xi32>
      %iota3A_118 = tpu.iota {dimensions = array<i32: 1>} : vector<2048x16xi32>
      %eq3A_119 = vector.broadcast %get3A_117 : vector<2048x1xi32> to vector<2048x16xi32>
      %eq3A_120 = arith.cmpi eq, %eq3A_119, %iota3A_118 : vector<2048x16xi32>
      %convert_element_type3A_121 = arith.extui %eq3A_120 : vector<2048x16xi1> to vector<2048x16xi32>
      %convert_element_type3A_122 = arith.sitofp %convert_element_type3A_121 : vector<2048x16xi32> to vector<2048x16xf32>
      %get3A_123 = arith.constant 0 : index
      %get3A_124 = arith.constant 0 : index
      %get3A_125 = arith.constant 0 : index
      %get3A_126 = vector.load %arg12[%get3A_123, %get3A_124, %get3A_125] : memref<1x16x128xf32, #tpu.memory_space<vmem>>, vector<1x16x128xf32>
      %get3A_127 = vector.shape_cast %get3A_126 : vector<1x16x128xf32> to vector<16x128xf32>
      %dot_general3A_128 = arith.constant dense<0.000000e+00> : vector<2048x128xf32>
      %dot_general3A_129 = tpu.matmul %convert_element_type3A_122, %get3A_127, %dot_general3A_128 {dimension_numbers = #tpu.dot_dimension_numbers<[1], [0], [0], [1], [0, 0, 1, 1], [], []>, transpose_lhs_hint = false} : vector<2048x16xf32>, vector<16x128xf32>, vector<2048x128xf32> -> vector<2048x128xf32>
      %add3A_130 = arith.addf %add3A_107, %dot_general3A_129 : vector<2048x128xf32>
      %max3A = arith.constant 0.000000e+00 : f32
      %max3A_131 = vector.broadcast %max3A : f32 to vector<2048x128xf32>
      %max3A_132 = arith.maximumf %add3A_130, %max3A_131 : vector<2048x128xf32>
      %swap3A = arith.constant 0 : index
      %swap3A_133 = arith.constant 0 : index
      %swap3A_134 = vector.load %arg14[%swap3A, %swap3A_133] : memref<2048x128xf32, #tpu.memory_space<vmem>>, vector<2048x128xf32>
      tpu.vector_store %arg14[%swap3A, %swap3A_133], %max3A_132 {strides = array<i32>} : memref<2048x128xf32, #tpu.memory_space<vmem>>, vector<2048x128xf32>,
    } else {
    }
    return
  }
  func.func @transform_1(%arg0: i32) -> (i32, i32) {
    %c0_i32 = arith.constant 0 : i32
    %c0_i32_0 = arith.constant 0 : i32
    return %arg0, %c0_i32 : i32, i32
  }
  func.func @transform_2(%arg0: i32) -> (i32, i32) {
    %c0_i32 = arith.constant 0 : i32
    %c0_i32_0 = arith.constant 0 : i32
    return %arg0, %c0_i32 : i32, i32
  }
  func.func @transform_3(%arg0: i32) -> (i32, i32) {
    %min3A = arith.constant 31 : i32
    %min3A_0 = arith.minsi %arg0, %min3A : i32
    %c0_i32 = arith.constant 0 : i32
    %c0_i32_1 = arith.constant 0 : i32
    return %min3A_0, %c0_i32 : i32, i32
  }
  func.func @transform_4(%arg0: i32) -> (i32, i32) {
    %sub3A = arith.constant 32 : i32
    %sub3A_0 = arith.subi %arg0, %sub3A : i32
    %jit3A = arith.constant 0 : i32
    %jit3A_1 = arith.constant 31 : i32
    %max3A = arith.maxsi %jit3A, %sub3A_0 : i32
    %min3A = arith.minsi %jit3A_1, %max3A : i32
    %c0_i32 = arith.constant 0 : i32
    %c0_i32_2 = arith.constant 0 : i32
    return %min3A, %c0_i32 : i32, i32
  }
  func.func @transform_5(%arg0: i32) -> (i32, i32) {
    %c0_i32 = arith.constant 0 : i32
    %c0_i32_0 = arith.constant 0 : i32
    %c0_i32_1 = arith.constant 0 : i32
    return %c0_i32, %c0_i32_0 : i32, i32
  }
  func.func @transform_6(%arg0: i32) -> (i32, i32, i32) {
    %lt3A = arith.constant 32 : i32
    %lt3A_0 = arith.cmpi slt, %arg0, %lt3A : i32
    %lt3A_1 = arith.constant 48 : i32
    %lt3A_2 = arith.cmpi slt, %arg0, %lt3A_1 : i32
    %jit3A = arith.constant 1 : i32
    %jit3A_3 = arith.constant 2 : i32
    %select_n3A = arith.select %lt3A_2, %jit3A, %jit3A_3 : i32
    %jit3A_4 = arith.constant 0 : i32
    %select_n3A_5 = arith.select %lt3A_0, %jit3A_4, %select_n3A : i32
    %c0_i32 = arith.constant 0 : i32
    %c0_i32_6 = arith.constant 0 : i32
    %c0_i32_7 = arith.constant 0 : i32
    return %select_n3A_5, %c0_i32, %c0_i32_6 : i32, i32, i32
  }
  func.func @transform_7(%arg0: i32) -> (i32, i32, i32) {
    %lt3A = arith.constant 32 : i32
    %lt3A_0 = arith.cmpi slt, %arg0, %lt3A : i32
    %lt3A_1 = arith.constant 48 : i32
    %lt3A_2 = arith.cmpi slt, %arg0, %lt3A_1 : i32
    %jit3A = arith.constant 1 : i32
    %jit3A_3 = arith.constant 2 : i32
    %select_n3A = arith.select %lt3A_2, %jit3A, %jit3A_3 : i32
    %jit3A_4 = arith.constant 0 : i32
    %select_n3A_5 = arith.select %lt3A_0, %jit3A_4, %select_n3A : i32
    %c0_i32 = arith.constant 0 : i32
    %c0_i32_6 = arith.constant 0 : i32
    %c0_i32_7 = arith.constant 0 : i32
    return %select_n3A_5, %c0_i32, %c0_i32_6 : i32, i32, i32
  }
  func.func @transform_8(%arg0: i32) -> (i32, i32, i32) {
    %lt3A = arith.constant 32 : i32
    %lt3A_0 = arith.cmpi slt, %arg0, %lt3A : i32
    %lt3A_1 = arith.constant 48 : i32
    %lt3A_2 = arith.cmpi slt, %arg0, %lt3A_1 : i32
    %jit3A = arith.constant 1 : i32
    %jit3A_3 = arith.constant 2 : i32
    %select_n3A = arith.select %lt3A_2, %jit3A, %jit3A_3 : i32
    %jit3A_4 = arith.constant 0 : i32
    %select_n3A_5 = arith.select %lt3A_0, %jit3A_4, %select_n3A : i32
    %c0_i32 = arith.constant 0 : i32
    %c0_i32_6 = arith.constant 0 : i32
    %c0_i32_7 = arith.constant 0 : i32
    return %select_n3A_5, %c0_i32, %c0_i32_6 : i32, i32, i32
  }
  func.func @transform_9(%arg0: i32) -> (i32, i32, i32) {
    %lt3A = arith.constant 32 : i32
    %lt3A_0 = arith.cmpi slt, %arg0, %lt3A : i32
    %lt3A_1 = arith.constant 48 : i32
    %lt3A_2 = arith.cmpi slt, %arg0, %lt3A_1 : i32
    %jit3A = arith.constant 1 : i32
    %jit3A_3 = arith.constant 2 : i32
    %select_n3A = arith.select %lt3A_2, %jit3A, %jit3A_3 : i32
    %jit3A_4 = arith.constant 0 : i32
    %select_n3A_5 = arith.select %lt3A_0, %jit3A_4, %select_n3A : i32
    %c0_i32 = arith.constant 0 : i32
    %c0_i32_6 = arith.constant 0 : i32
    %c0_i32_7 = arith.constant 0 : i32
    return %select_n3A_5, %c0_i32, %c0_i32_6 : i32, i32, i32
  }
  func.func @transform_10(%arg0: i32) -> (i32, i32, i32) {
    %lt3A = arith.constant 32 : i32
    %lt3A_0 = arith.cmpi slt, %arg0, %lt3A : i32
    %lt3A_1 = arith.constant 48 : i32
    %lt3A_2 = arith.cmpi slt, %arg0, %lt3A_1 : i32
    %jit3A = arith.constant 1 : i32
    %jit3A_3 = arith.constant 2 : i32
    %select_n3A = arith.select %lt3A_2, %jit3A, %jit3A_3 : i32
    %jit3A_4 = arith.constant 0 : i32
    %select_n3A_5 = arith.select %lt3A_0, %jit3A_4, %select_n3A : i32
    %c0_i32 = arith.constant 0 : i32
    %c0_i32_6 = arith.constant 0 : i32
    %c0_i32_7 = arith.constant 0 : i32
    return %select_n3A_5, %c0_i32, %c0_i32_6 : i32, i32, i32
  }
  func.func @transform_11(%arg0: i32) -> (i32, i32, i32) {
    %lt3A = arith.constant 32 : i32
    %lt3A_0 = arith.cmpi slt, %arg0, %lt3A : i32
    %lt3A_1 = arith.constant 48 : i32
    %lt3A_2 = arith.cmpi slt, %arg0, %lt3A_1 : i32
    %jit3A = arith.constant 1 : i32
    %jit3A_3 = arith.constant 2 : i32
    %select_n3A = arith.select %lt3A_2, %jit3A, %jit3A_3 : i32
    %jit3A_4 = arith.constant 0 : i32
    %select_n3A_5 = arith.select %lt3A_0, %jit3A_4, %select_n3A : i32
    %c0_i32 = arith.constant 0 : i32
    %c0_i32_6 = arith.constant 0 : i32
    %c0_i32_7 = arith.constant 0 : i32
    return %select_n3A_5, %c0_i32, %c0_i32_6 : i32, i32, i32
  }
  func.func @transform_12(%arg0: i32) -> (i32, i32, i32) {
    %lt3A = arith.constant 32 : i32
    %lt3A_0 = arith.cmpi slt, %arg0, %lt3A : i32
    %lt3A_1 = arith.constant 48 : i32
    %lt3A_2 = arith.cmpi slt, %arg0, %lt3A_1 : i32
    %jit3A = arith.constant 1 : i32
    %jit3A_3 = arith.constant 2 : i32
    %select_n3A = arith.select %lt3A_2, %jit3A, %jit3A_3 : i32
    %jit3A_4 = arith.constant 0 : i32
    %select_n3A_5 = arith.select %lt3A_0, %jit3A_4, %select_n3A : i32
    %c0_i32 = arith.constant 0 : i32
    %c0_i32_6 = arith.constant 0 : i32
    %c0_i32_7 = arith.constant 0 : i32
    return %select_n3A_5, %c0_i32, %c0_i32_6 : i32, i32, i32
  }
  func.func @transform_13(%arg0: i32) -> (i32, i32) {
    %c0_i32 = arith.constant 0 : i32
    %c0_i32_0 = arith.constant 0 : i32
    return %arg0, %c0_i32 : i32, i32
  }
}

</mosaic_0001>

<sc_bundles>
// kernel: kernel.6.cloned.1.call-start
scs
__scs_entry_jumppad:
0x0: {  	(pc) =	sbr.rel $0x88, $3  }
0x1: {  	(tag) =	ssettag $0x0;
	lr =	simm.s32 $0x1  }
0x2: {  	[smem:$0x3F85] =	sst lr;
	_ =	strace $0xD0000000  }
0x3: {  	_ = 	snop  }
0x4: {  	_ = 	snop  }
0x5: {  	_ = 	snop  }
0x6: {  	_ = 	snop  }
0x7: {  	_ = 	snop  }
__scs_overlays_trampoline_lowered:
0x8: {  	[smem:$0x3F94] =	sst s0  }
0x9: {  	[smem:$0x3F95] =	sst s1  }
0xa: {  	[smem:$0x3F96] =	sst s2  }
0xb: {  	[smem:$0x3F97] =	sst s3  }
0xc: {  	[smem:$0x3F98] =	sst s4  }
0xd: {  	[smem:$0x3F99] =	sst s5  }
0xe: {  	[smem:$0x3F9A] =	sst s6  }
0xf: {  	[smem:$0x3F9B] =	sst s7  }
0x10: {  	[smem:$0x3F9C] =	sst s8  }
0x11: {  	[smem:$0x3F9D] =	sst s9;
	s0 =	simm.s32 @!p0 $0x0  }
0x12: {  	s1 =	sld [smem:$0x3F83];
	s0 =	simm.s32 @p0 $0x1  }
0x13: {  	[smem:$0x3F9E] =	sst s0;
	s0 =	simm.s32 @!p1 $0x0  }
0x14: {  	s2 =	sld [smem:$0x3F82];
	s0 =	simm.s32 @p1 $0x1  }
0x15: {  	[smem:$0x3F9F] =	sst s0;
	s0 =	simm.s32 @!p2 $0x0  }
0x16: {  	s3 =	sld [smem:$0x3FDB];
	s0 =	simm.s32 @p2 $0x1  }
0x17: {  	s4 =	simm.s32 $0x1BF5;
	[smem:$0x3FA1] =	sst s0  }
0x18: {  	s0 =	sld [smem:$0x3F84];
	_ =	swait.ge [sflag:s4], $0x0  }
0x19: {  	s7 =	sld [smem:$0x3F85]  }
0x1a: {  	s8 =	sadd.s32 $0xFFFFE003, lr  }
0x1b: {  	s9 =	sadd.s32 $0xFFFFFEF7, lr;
	s5 =	simm.s32 $0xFFFFFFFF;
	p2 =	slt.u32 s8, $0xFFFFF086  }
0x1c: {  	p1 =	slt.u32 s9, $0xF7A;
	s5 =	simm.s32 @!p2 $0x0  }
0x1d: {  	s5 =	simm.s32 @p1 $0x1;
	p0 =	seq.s32 s7, s2  }
0x1e: {  	s7 =	smul.u32 @!p0 $0xF7A, s2;
	p2 =	seq.s32 @!p0 s5, $0x0  }
0x1f: {  	s9 =	smul.u32 $0xF7A, s1;
	s8 =	simm.s32 @!p0 $0x1BF5;
	p2 =	por !p2, p0  }
0x20: {  	[sflag:s8] =	ssyncset.s32 @!p0 $0xFFFFF086;
	s6 =	sadd.s32 @!p0 s3, s7;
	s7 =	simm.s32 @!p0 $0x108  }
0x21: {  	s3 =	sadd.s32 s3, s9;
	s6 =	sadd.s32 @!p0 $0x88, s6;
	s7 =	simm.s32 @p2 $0x1082  }
0x22: {  	[simem:s7], [sflag:s8] =	dma.local @!p0 [hbm:s6], $0xF7A  }
0x23: {  	s9 =	sor.u32 $0xD0000000, s2;
	s6 =	simm.s32 $0x108;
	_ =	swait.ge @!p0 [sflag:s8], $0x0  }
0x24: {  	s3 =	sadd.s32 $0x88, s3;
	s6 =	simm.s32 @!p1 $0x1082;
	[sflag:s4] =	ssyncset.s32 $0xFFFFF086  }
0x25: {  	[simem:s6], [sflag:s4] =	dma.local [hbm:s3], $0xF7A  }
0x26: {  	[smem:$0x3F85] =	sst s1;
	(tag) =	ssettag s2;
	_ =	strace s9  }
0x27: {  	s1 =	sld [smem:$0x3F95]  }
0x28: {  	s2 =	sld [smem:$0x3F96]  }
0x29: {  	s4 =	sld [smem:$0x3F98]  }
0x2a: {  	p0 =	seq.s32 s5, $0x0;
	s5 =	sld [smem:$0x3F99]  }
0x2b: {  	s6 =	sld [smem:$0x3F9A]  }
0x2c: {  	s7 =	sld [smem:$0x3F9B]  }
0x2d: {  	s3 =	simm.s32 $0x108;
	s8 =	sld [smem:$0x3F9C]  }
0x2e: {  	s3 =	simm.s32 @!p0 $0x1082;
	s9 =	sld [smem:$0x3F9D]  }
0x2f: {  	lr =	sadd.s32 s0, s3;
	s0 =	sld [smem:$0x3F94]  }
0x30: {  	s3 =	sld [smem:$0x3F97]  }
0x31: {  	[smem:$0x3FA0] =	sst s10  }
0x32: {  	s10 =	sld [smem:$0x3F9E];
	_ =	sdelay $0x3  }
0x33: {  	p0 =	seq.s32 s10, $0x1;
	s10 =	sld [smem:$0x3FA0];
	_ =	sdelay $0x3  }
0x34: {  	[smem:$0x3FA0] =	sst s10  }
0x35: {  	s10 =	sld [smem:$0x3F9F];
	_ =	sdelay $0x3  }
0x36: {  	p1 =	seq.s32 s10, $0x1;
	s10 =	sld [smem:$0x3FA0];
	_ =	sdelay $0x3  }
0x37: {  	[smem:$0x3FA0] =	sst s10  }
0x38: {  	s10 =	sld [smem:$0x3FA1]  }
0x39: {  	_ = 	snop;
	(pc) =	sbr.ind lr, $3  }
0x3a: {  	_ = 	snop  }
0x3b: {  	_ = 	snop  }
0x3c: {  	p2 =	seq.s32 s10, $0x1;
	s10 =	sld [smem:$0x3FA0]  }
0x3d: {  	_ =	shalt  }
0x3e: {  	_ =	shalt  }
0x3f: {  	_ =	shalt  }
0x40: {  	_ =	shalt  }
0x41: {  	_ =	shalt  }
0x42: {  	_ =	shalt  }
0x43: {  	_ =	shalt  }
0x44: {  	_ =	shalt  }
0x45: {  	_ =	shalt  }
0x46: {  	_ =	shalt  }
0x47: {  	_ =	shalt  }
0x48: {  	_ =	shalt  }
0x49: {  	_ =	shalt  }
0x4a: {  	_ =	shalt  }
0x4b: {  	_ =	shalt  }
0x4c: {  	_ =	shalt  }
0x4d: {  	_ =	shalt  }
0x4e: {  	_ =	shalt  }
0x4f: {  	_ =	shalt  }
0x50: {  	_ =	shalt  }
0x51: {  	_ =	shalt  }
0x52: {  	_ =	shalt  }
0x53: {  	_ =	shalt  }
0x54: {  	_ =	shalt  }
0x55: {  	_ =	shalt  }
0x56: {  	_ =	shalt  }
0x57: {  	_ =	shalt  }
0x58: {  	_ =	shalt  }
0x59: {  	_ =	shalt  }
0x5a: {  	_ =	shalt  }
0x5b: {  	_ =	shalt  }
0x5c: {  	_ =	shalt  }
0x5d: {  	_ =	shalt  }
0x5e: {  	_ =	shalt  }
0x5f: {  	_ =	shalt  }
0x60: {  	_ =	shalt  }
0x61: {  	_ =	shalt  }
0x62: {  	_ =	shalt  }
0x63: {  	_ =	shalt  }
0x64: {  	_ =	shalt  }
0x65: {  	_ =	shalt  }
0x66: {  	_ =	shalt  }
0x67: {  	_ =	shalt  }
0x68: {  	_ =	shalt  }
0x69: {  	_ =	shalt  }
0x6a: {  	_ =	shalt  }
0x6b: {  	_ =	shalt  }
0x6c: {  	_ =	shalt  }
0x6d: {  	_ =	shalt  }
0x6e: {  	_ =	shalt  }
0x6f: {  	_ =	shalt  }
0x70: {  	_ =	shalt  }
0x71: {  	_ =	shalt  }
0x72: {  	_ =	shalt  }
0x73: {  	_ =	shalt  }
0x74: {  	_ =	shalt  }
0x75: {  	_ =	shalt  }
0x76: {  	_ =	shalt  }
0x77: {  	_ =	shalt  }
0x78: {  	_ =	shalt  }
0x79: {  	_ =	shalt  }
0x7a: {  	_ =	shalt  }
0x7b: {  	_ =	shalt  }
0x7c: {  	_ =	shalt  }
0x7d: {  	_ =	shalt  }
0x7e: {  	_ =	shalt  }
0x7f: {  	_ =	shalt  }
0x80: {  	_ =	shalt  }
0x81: {  	_ =	shalt  }
0x82: {  	_ =	shalt  }
0x83: {  	_ =	shalt  }
0x84: {  	_ =	shalt  }
0x85: {  	_ =	shalt  }
0x86: {  	_ =	shalt  }
0x87: {  	_ =	shalt  }
.Lfunc_end0:
.L_simem_size_0:
called_computation_lowered:
.L_overlay_start_0:
0x88: {  	s2 =	sld [smem:$0x3FD9]  }
0x89: {  	s3 =	sld [smem:$0x3FFE];
	_ =	sdelay $0x1  }
0x8a: {  	s1 =	srdreg.scid  }
0x8b: {  	s0 =	sand.u32 $0x1, s1  }
0x8c: {  	s17 =	sshll.u32 s0, $0xA;
	s2 =	sadd.s32 s3, s2  }
0x8d: {  	s2 =	sadd.s32 s2, s17  }
0x8e: {  	[smem:$0x3FAC] =	sst s2  }
0x8f: {  	_ = 	snop  }
0x90: {  	s2 =	sld [smem:$0x3FC2]  }
0x91: {  	s18 =	sld [smem:$0x3FBD];
	(tm) =	ssettm $0x1  }
0x92: {  	s4 =	sld [smem:$0x3FFB];
	_ =	sdelay $0x3  }
0x93: {  	_ =	strace s4  }
0x94: {  	s4 =	sld [smem:$0x3FFC];
	_ =	sdelay $0x3  }
0x95: {  	_ =	strace s4  }
0x96: {  	s4 =	sld [smem:$0x3FFD];
	_ =	sdelay $0x3  }
0x97: {  	_ =	strace s4  }
0x98: {  	_ =	strace $0x8FFFFFFF  }
0x99: {  	s19 =	sld [smem:$0x3FDB];
	_ =	sdelay $0x1  }
0x9a: {  	s5 =	simm.s32 $_scs_section_size  }
0x9b: {  	s6 =	simm.s32 $_size__tile_overlayer_lowered;
	s7 =	simm.s32 $_tile_overlayer_lowered  }
0x9c: {  	s22 =	simm.s32 $0x1BFF;
	s21 =	sshll.u32 s7, $0x1;
	s4 =	sadd.s32 s5, s19  }
0x9d: {  	s8 =	simm.s32 $0x0;
	s20 =	sshll.u32 s6, $0x1;
	s6 =	sadd.s32 s21, s4  }
0x9e: {  	[timem:s8], [sflag:s22] =	dma.local [hbm:s6], s20  }
0x9f: {  	_ =	swait.ge [sflag:s22], s20  }
0xa0: {  	s5 =	ssub.s32 $0x0, s20;
	[sflag:s22] =	ssyncset.done $0x0  }
0xa1: {  	[sflag:s22] =	ssyncadd.s32 s5;
	_ =	sdelay $0x1  }
0xa2: {  	s23 =	simm.s32 $0x1B8B  }
0xa3: {  	_ =	swait.ge [sflag:s23], $0x1  }
0xa4: {  	[sflag:s23] =	ssyncset.done $0x0  }
0xa5: {  	s25 =	simm.s32 $0x1B8E;
	s24 =	sld [smem:$0x3FFE];
	[sflag:s23] =	ssyncadd.s32 $0xFFFFFFFF  }
0xa6: {  	s26 =	simm.s32 $execute0_lowered;
	[smem:$0x3FD2] =	sst s25  }
0xa7: {  	s6 =	sshll.u32 s26, $0x1;
	_ =	strace $0x80000046;
	[dreg:$0x1] =	wrdreg $0xFFFFFFFF  }
0xa8: {  	s28 =	simm.s32 $_size_execute0_lowered;
	s4 =	sadd.s32 s4, s6;
	[dreg:$0x0] =	wrdreg $0x0  }
0xa9: {  	s6 =	sshll.u32 s28, $0x1;
	[dreg:$0x2] =	wrdreg s4  }
0xaa: {  	[dreg:$0x3] =	wrdreg s6  }
0xab: {  	[dreg:$0x4] =	wrdreg $0xC0  }
0xac: {  	_ =	task [dreg:s8], $0x5FFFF  }
0xad: {  	[dreg:$0x1] =	wrdreg $0xFFFFFFFF  }
0xae: {  	[dreg:$0x0] =	wrdreg $0x60  }
0xaf: {  	[dreg:$0x2] =	wrdreg s24  }
0xb0: {  	[dreg:$0x3] =	wrdreg s18  }
0xb1: {  	[dreg:$0x4] =	wrdreg s2  }
0xb2: {  	[dreg:$0x5] =	wrdreg $0x9  }
0xb3: {  	_ =	task.clear_ibuf [dreg:s8], $0x6FFFF;
	_ =	strace $0x90000046  }
0xb4: {  	s29 =	simm.s32 $0x9;
	_ =	strace $0x80000048  }
0xb5: {  	_ =	swait.ge [sflag:s29], $0x1  }
0xb6: {  	[sflag:s29] =	ssyncadd.s32 $0xFFFFFFFF  }
0xb7: {  	_ =	strace $0x90000048  }
0xb8: {  	_ =	sfence  }
0xb9: {  	s30 =	sld [smem:$0x0];
	_ =	sdelay $0x2  }
0xba: {  	s31 =	sshll.u32 s1, $0xD;
	s1 =	sshrl.u32 s1, $0x2  }
0xbb: {  	s3 =	sand.u32 $0x4000, s31;
	s1 =	sadd.s32 s1, s30  }
0xbc: {  	s0 =	sor.u32 s3, s0;
	s1 =	sshll.u32 s1, $0x11  }
0xbd: {  	s0 =	sor.u32 s1, s0  }
0xbe: {  	s0 =	sadd.s32 $0x8F2B, s0  }
0xbf: {  	[sflag:s0] =	ssyncadd.remote.s32 $0x1  }
0xc0: {  	_ =	sfence.sel $0xFFFF  }
0xc1: {  	[dreg:$0x0] =	wrdreg $0xFFFFFFFF;
	(pc) =	sbr.abs _section_cstart, $3  }
0xc2: {  	[dreg:$0x1] =	wrdreg $0xFFFFFFFF  }
0xc3: {  	_ =	task.clear_ibuf [dreg:s8], $0x2FFFF;
	_ =	strace $0x9FFFFFFF  }
0xc4: {  	(tm) =	ssettm $0x7FFFFFFF  }
0xc5: {  	_ =	shalt  }
tec
execute0_lowered:
.L_overlay_start_1:
0x0: {  	(tag) =	ssettag $0x1  }
0x1: {  	s0 =	rddreg [dreg:$0x0]  }
0x2: {  	s1 =	rddreg [dreg:$0x1]  }
0x3: {  	s2 =	rddreg [dreg:$0x2];
	s3 =	simm.s32 $0x0;
	s4 =	srdreg.scid  }
0x4: {  	s15 =	stileid.u32;
	s30 =	simm.s32 $0x7000;
	s31 =	simm.s32 $0x13000  }
0x5: {  	s28 =	simm.s32 $0x1C000;
	[smem:$0x7FF] =	sst s3;
	s9 =	sand.u32 $0x1, s4  }
0x6: {  	s6 =	sshll.u32 s15, $0x1;
	s4 =	sadd.s32 $0xFA00, s0;
	s5 =	sadd.s32 $0x7A00, s0  }
0x7: {  	s26 =	sshll.u32 s15, $0xF;
	p0 =	sgt.u32 s15, $0x7;
	_ =	strace $0x80000047  }
0x8: {  	s10 =	sor.u32 s9, s6;
	s6 =	sadd.s32 $0x3A00, s0;
	s8 =	ssub.s32 $0x2, s9  }
0x9: {  	s11 =	sshll.u32 s10, $0xA;
	s7 =	sshll.u32 s10, $0x10;
	s14 =	sshll.u32 s10, $0xE  }
0xa: {  	s10 =	sshll.u32 s10, $0x9;
	s12 =	sadd.s32 s11, s0;
	s11 =	sadd.s32 s6, s11  }
0xb: {  	s9 =	sshll.u32 s9, $0xE;
	s2 =	sadd.s32 s2, s10;
	[dreg:$0x4] =	wrdreg s11  }
0xc: {  	s18 =	sshrl.u32 s8, $0x1;
	s19 =	sadd.s32 $0x17A00, s12;
	[dreg:$0x7] =	wrdreg s2  }
0xd: {  	s13 =	sadd.s32 s7, s0;
	s20 =	sadd.s32 $0x1BA00, s12;
	[dreg:$0x5] =	wrdreg s19  }
0xe: {  	s7 =	sadd.s32 $0x11FA00, s0;
	s21 =	sadd.s32 $0x1FA00, s13;
	[dreg:$0x6] =	wrdreg s20  }
0xf: {  	s0 =	ssub.s32 s8, s18;
	s22 =	sadd.s32 $0x21A00, s13;
	[dreg:$0x8] =	wrdreg s21  }
0x10: {  	s8 =	sadd.s32 $0xFFFC0000, s14;
	s23 =	sadd.s32 $0x23A00, s13;
	[dreg:$0x9] =	wrdreg s22  }
0x11: {  	s14 =	sadd.s32 $0xFFFC4000, s14;
	s24 =	sadd.s32 $0x25A00, s13;
	[dreg:$0xa] =	wrdreg s23  }
0x12: {  	s25 =	sadd.s32 $0x27A00, s13;
	s29 =	sadd.s32 $0x29A00, s13;
	[dreg:$0xb] =	wrdreg s24  }
.Ltmp0:
0x13: {  	s2 =	sor.u32 s9, s26;
	[dreg:$0xc] =	wrdreg s25;
	(pc) =	sbr.rel .LBB2_1-.Ltmp0, $4  }
0x14: {  	s26 =	simm.s32 $0xF000;
	s9 =	simm.s32 $0x0;
	[dreg:$0xd] =	wrdreg s29  }
0x15: {  	s19 =	sadd.s32 $0x2BA00, s13;
	s20 =	sadd.s32 $0x2DA00, s13;
	s21 =	smax.u32 s0, $0x1  }
0x16: {  	v4 =	vlaneseq.u32;
	v2 =	vimm.s32 $0xFFFFFFFF;
	v3 =	vimm.f32 $0.0e+00;
	s22 =	sadd.s32 $0xFFFC0000, s2;
	s23 =	simm.s32 $0x2;
	s24 =	simm.s32 $0x80  }
0x17: {  	v4 =	vor.u32 $0x20000, v4;
	v0 =	vmov s14;
	v1 =	vmov s8;
	s25 =	simm.s32 $0x1;
	s0 =	simm.s32 $0xB000;
	s2 =	simm.s32 $0x1B000  }
.LBB2_15:
0x18: {  	s9 =	sadd.s32 $0x1, s9  }
0x19: {  	p1 =	sne.s32 s9, s21  }
.Ltmp1:
0x1a: {  	_ = 	snop;
	(pc) =	sbr.rel @!p1 .LBB2_16-.Ltmp1, $1  }
0x1b: {  	_ =	sdelay $0x3  }
.LBB2_1:
.Ltmp2:
0x1c: {  	(pc) =	sbr.rel @p0 .LBB2_5-.Ltmp2, $1  }
0x1d: {  	_ =	sdelay $0x3  }
0x1e: {  	s10 =	simm.s32 $0x0;
	s11 =	rddreg [dreg:$0x4]  }
0x1f: {  	[tilespmem:s10], [sflag:$0x2] =	stream.linear.gather [hbm4b:s11+s10], $0x2000, $0x38;
	[tilespmem:$0x1C880] =	vst v63  }
0x20: {  	_ =	swait.ge [sflag:s23], $0x2000  }
0x21: {  	[sflag:s23] =	ssyncset.done $0x0  }
0x22: {  	s17 =	simm.s32 $0x0;
	s18 =	simm.s32 $0x3000;
	[sflag:s23] =	ssyncadd.s32 $0xFFFFE000  }
0x23: {  	[tilespmem:s18], [sflag:$0x1] =	stream.indirect.gather [hbm4b:s4+s24], $0x1, s17, s24, $0xb8;
	[tilespmem:$0x1C880] =	vst v63  }
0x24: {  	_ =	swait.ge [sflag:s25], $0x80  }
0x25: {  	[sflag:s25] =	ssyncset.done $0x0  }
0x26: {  	s29 =	simm.s32 $0x5000;
	[sflag:s25] =	ssyncadd.s32 $0xFFFFFF80  }
0x27: {  	[tilespmem:s29], [sflag:$0x1] =	stream.indirect.gather [hbm4b:s5+s24], $0x1, s17, s24, $0xb8;
	[tilespmem:$0x1C880] =	vst v63  }
0x28: {  	_ =	swait.ge [sflag:s25], $0x80  }
0x29: {  	s11 =	simm.s32 $0x400;
	s10 =	simm.s32 $0x80;
	[sflag:s25] =	ssyncset.done $0x0  }
.LBB2_3:
0x2a: {  	s12 =	sadd.s32 $0x3000, s10  }
0x2b: {  	[sflag:s25] =	ssyncadd.s32 $0xFFFFFF80;
	s13 =	smov.u32 s11;
	s14 =	sadd.s32 $0x200, s11  }
0x2c: {  	[tilespmem:s12], [sflag:$0x1] =	stream.indirect.gather [hbm4b:s4+s24], $0x1, s10, s24, $0xb8;
	[tilespmem:$0x1C880] =	vst v63  }
0x2d: {  	p1 =	sne.s32 s11, $0x7E00;
	_ =	swait.ge [sflag:s25], $0x80  }
.Ltmp3:
0x2e: {  	[sflag:s25] =	ssyncset.done $0x0;
	(pc) =	sbr.rel @p1 .LBB2_3-.Ltmp3, $4  }
0x2f: {  	s11 =	sadd.s32 $0x5000, s10;
	[sflag:s25] =	ssyncadd.s32 $0xFFFFFF80  }
0x30: {  	[tilespmem:s11], [sflag:$0x1] =	stream.indirect.gather [hbm4b:s5+s24], $0x1, s10, s24, $0xb8;
	[tilespmem:$0x1C880] =	vst v63  }
0x31: {  	_ =	swait.ge [sflag:s25], $0x80  }
0x32: {  	s10 =	sshra.s32 s13, $0x2;
	s11 =	smov.u32 s14;
	[sflag:s25] =	ssyncset.done $0x0  }
0x33: {  	s11 =	sadd.s32 $0x3000, s10;
	[sflag:s25] =	ssyncadd.s32 $0xFFFFFF80  }
0x34: {  	[tilespmem:s11], [sflag:$0x1] =	stream.indirect.gather [hbm4b:s4+s24], $0x1, s10, s24, $0xb8;
	[tilespmem:$0x1C880] =	vst v63  }
0x35: {  	_ =	swait.ge [sflag:s25], $0x80  }
0x36: {  	[sflag:s25] =	ssyncset.done $0x0  }
0x37: {  	s12 =	sadd.s32 $0x5000, s10;
	[sflag:s25] =	ssyncadd.s32 $0xFFFFFF80  }
0x38: {  	[tilespmem:s12], [sflag:$0x1] =	stream.indirect.gather [hbm4b:s5+s24], $0x1, s10, s24, $0xb8;
	[tilespmem:$0x1C880] =	vst v63  }
0x39: {  	_ =	swait.ge [sflag:s25], $0x80  }
0x3a: {  	[sflag:s25] =	ssyncset.done $0x0  }
0x3b: {  	s14 =	simm.s32 $0x3000;
	s13 =	rddreg [dreg:$0x5];
	[sflag:s25] =	ssyncadd.s32 $0xFFFFFF80  }
0x3c: {  	[hbm4b:s13+s3] =	stream.linear.scatter [tilespmem:s14], [sflag:$0x2], $0x2000, $0x38;
	[tilespmem:$0x1C880] =	vst v63  }
0x3d: {  	_ =	swait.ge [sflag:s23], $0x2000  }
0x3e: {  	[sflag:s23] =	ssyncset.done $0x0  }
0x3f: {  	s16 =	simm.s32 $0x5000;
	s15 =	rddreg [dreg:$0x6];
	[sflag:s23] =	ssyncadd.s32 $0xFFFFE000  }
0x40: {  	[hbm4b:s15+s3] =	stream.linear.scatter [tilespmem:s16], [sflag:$0x2], $0x2000, $0x38;
	[tilespmem:$0x1C880] =	vst v63  }
0x41: {  	_ =	swait.ge [sflag:s23], $0x2000  }
0x42: {  	[sflag:s23] =	ssyncset.done $0x0  }
0x43: {  	s18 =	simm.s32 $0x2000;
	s17 =	rddreg [dreg:$0x7];
	[sflag:s23] =	ssyncadd.s32 $0xFFFFE000  }
0x44: {  	[tilespmem:s18], [sflag:$0x2] =	stream.linear.gather [hbm4b:s17+s3], $0x1000, $0x38;
	[tilespmem:$0x1C880] =	vst v63  }
0x45: {  	_ =	swait.ge [sflag:s23], $0x1000  }
0x46: {  	[sflag:s23] =	ssyncset.done $0x0  }
0x47: {  	[sflag:s23] =	ssyncadd.s32 $0xFFFFF000  }
0x48: {  	[tilespmem:s30], [sflag:$0x1] =	stream.indirect.gather [hbm4b:s1+s24], $0x80, s18, s24, $0xb8;
	[tilespmem:$0x1C880] =	vst v63  }
0x49: {  	_ =	swait.ge [sflag:s25], $0x4000  }
0x4a: {  	[sflag:s25] =	ssyncset.done $0x0  }
0x4b: {  	s29 =	simm.s32 $0x2080;
	[sflag:s25] =	ssyncadd.s32 $0xFFFFC000  }
0x4c: {  	[tilespmem:s0], [sflag:$0x1] =	stream.indirect.gather [hbm4b:s1+s24], $0x80, s29, s24, $0xb8;
	[tilespmem:$0x1C880] =	vst v63  }
0x4d: {  	_ =	swait.ge [sflag:s25], $0x4000  }
0x4e: {  	[sflag:s25] =	ssyncset.done $0x0  }
0x4f: {  	s11 =	simm.s32 $0x2100;
	[sflag:s25] =	ssyncadd.s32 $0xFFFFC000  }
0x50: {  	[tilespmem:s26], [sflag:$0x1] =	stream.indirect.gather [hbm4b:s1+s24], $0x80, s11, s24, $0xb8;
	[tilespmem:$0x1C880] =	vst v63  }
0x51: {  	_ =	swait.ge [sflag:s25], $0x4000  }
0x52: {  	[sflag:s25] =	ssyncset.done $0x0  }
0x53: {  	s12 =	simm.s32 $0x2180;
	[sflag:s25] =	ssyncadd.s32 $0xFFFFC000  }
0x54: {  	[tilespmem:s31], [sflag:$0x1] =	stream.indirect.gather [hbm4b:s1+s24], $0x80, s12, s24, $0xb8;
	[tilespmem:$0x1C880] =	vst v63  }
0x55: {  	_ =	swait.ge [sflag:s25], $0x4000  }
0x56: {  	[sflag:s25] =	ssyncset.done $0x0  }
0x57: {  	s13 =	rddreg [dreg:$0x8];
	[sflag:s25] =	ssyncadd.s32 $0xFFFFC000  }
0x58: {  	[hbm4b:s13+s3] =	stream.linear.scatter [tilespmem:s30], [sflag:$0x2], $0x10000, $0x38;
	[tilespmem:$0x1C880] =	vst v63  }
0x59: {  	_ =	swait.ge [sflag:s23], $0x10000  }
0x5a: {  	[sflag:s23] =	ssyncset.done $0x0  }
0x5b: {  	s14 =	simm.s32 $0x2200;
	[sflag:s23] =	ssyncadd.s32 $0xFFFF0000  }
0x5c: {  	[tilespmem:s30], [sflag:$0x1] =	stream.indirect.gather [hbm4b:s1+s24], $0x80, s14, s24, $0xb8;
	[tilespmem:$0x1C880] =	vst v63  }
0x5d: {  	_ =	swait.ge [sflag:s25], $0x4000  }
0x5e: {  	[sflag:s25] =	ssyncset.done $0x0  }
0x5f: {  	s15 =	simm.s32 $0x2280;
	[sflag:s25] =	ssyncadd.s32 $0xFFFFC000  }
0x60: {  	[tilespmem:s0], [sflag:$0x1] =	stream.indirect.gather [hbm4b:s1+s24], $0x80, s15, s24, $0xb8;
	[tilespmem:$0x1C880] =	vst v63  }
0x61: {  	_ =	swait.ge [sflag:s25], $0x4000  }
0x62: {  	[sflag:s25] =	ssyncset.done $0x0  }
0x63: {  	s16 =	simm.s32 $0x2300;
	[sflag:s25] =	ssyncadd.s32 $0xFFFFC000  }
0x64: {  	[tilespmem:s26], [sflag:$0x1] =	stream.indirect.gather [hbm4b:s1+s24], $0x80, s16, s24, $0xb8;
	[tilespmem:$0x1C880] =	vst v63  }
0x65: {  	_ =	swait.ge [sflag:s25], $0x4000  }
0x66: {  	[sflag:s25] =	ssyncset.done $0x0  }
0x67: {  	s17 =	simm.s32 $0x2380;
	[sflag:s25] =	ssyncadd.s32 $0xFFFFC000  }
0x68: {  	[tilespmem:s31], [sflag:$0x1] =	stream.indirect.gather [hbm4b:s1+s24], $0x80, s17, s24, $0xb8;
	[tilespmem:$0x1C880] =	vst v63  }
0x69: {  	_ =	swait.ge [sflag:s25], $0x4000  }
0x6a: {  	[sflag:s25] =	ssyncset.done $0x0  }
0x6b: {  	s18 =	rddreg [dreg:$0x9];
	[sflag:s25] =	ssyncadd.s32 $0xFFFFC000  }
0x6c: {  	[hbm4b:s18+s3] =	stream.linear.scatter [tilespmem:s30], [sflag:$0x2], $0x10000, $0x38;
	[tilespmem:$0x1C880] =	vst v63  }
0x6d: {  	_ =	swait.ge [sflag:s23], $0x10000  }
0x6e: {  	[sflag:s23] =	ssyncset.done $0x0  }
0x6f: {  	s29 =	simm.s32 $0x2400;
	[sflag:s23] =	ssyncadd.s32 $0xFFFF0000  }
0x70: {  	[tilespmem:s30], [sflag:$0x1] =	stream.indirect.gather [hbm4b:s1+s24], $0x80, s29, s24, $0xb8;
	[tilespmem:$0x1C880] =	vst v63  }
0x71: {  	_ =	swait.ge [sflag:s25], $0x4000  }
0x72: {  	[sflag:s25] =	ssyncset.done $0x0  }
0x73: {  	s11 =	simm.s32 $0x2480;
	[sflag:s25] =	ssyncadd.s32 $0xFFFFC000  }
0x74: {  	[tilespmem:s0], [sflag:$0x1] =	stream.indirect.gather [hbm4b:s1+s24], $0x80, s11, s24, $0xb8;
	[tilespmem:$0x1C880] =	vst v63  }
0x75: {  	_ =	swait.ge [sflag:s25], $0x4000  }
0x76: {  	[sflag:s25] =	ssyncset.done $0x0  }
0x77: {  	s12 =	simm.s32 $0x2500;
	[sflag:s25] =	ssyncadd.s32 $0xFFFFC000  }
0x78: {  	[tilespmem:s26], [sflag:$0x1] =	stream.indirect.gather [hbm4b:s1+s24], $0x80, s12, s24, $0xb8;
	[tilespmem:$0x1C880] =	vst v63  }
0x79: {  	_ =	swait.ge [sflag:s25], $0x4000  }
0x7a: {  	[sflag:s25] =	ssyncset.done $0x0  }
0x7b: {  	s13 =	simm.s32 $0x2580;
	[sflag:s25] =	ssyncadd.s32 $0xFFFFC000  }
0x7c: {  	[tilespmem:s31], [sflag:$0x1] =	stream.indirect.gather [hbm4b:s1+s24], $0x80, s13, s24, $0xb8;
	[tilespmem:$0x1C880] =	vst v63  }
0x7d: {  	_ =	swait.ge [sflag:s25], $0x4000  }
0x7e: {  	[sflag:s25] =	ssyncset.done $0x0  }
0x7f: {  	s14 =	rddreg [dreg:$0xa];
	[sflag:s25] =	ssyncadd.s32 $0xFFFFC000  }
0x80: {  	[hbm4b:s14+s3] =	stream.linear.scatter [tilespmem:s30], [sflag:$0x2], $0x10000, $0x38;
	[tilespmem:$0x1C880] =	vst v63  }
0x81: {  	_ =	swait.ge [sflag:s23], $0x10000  }
0x82: {  	[sflag:s23] =	ssyncset.done $0x0  }
0x83: {  	s15 =	simm.s32 $0x2600;
	[sflag:s23] =	ssyncadd.s32 $0xFFFF0000  }
0x84: {  	[tilespmem:s30], [sflag:$0x1] =	stream.indirect.gather [hbm4b:s1+s24], $0x80, s15, s24, $0xb8;
	[tilespmem:$0x1C880] =	vst v63  }
0x85: {  	_ =	swait.ge [sflag:s25], $0x4000  }
0x86: {  	[sflag:s25] =	ssyncset.done $0x0  }
0x87: {  	s16 =	simm.s32 $0x2680;
	[sflag:s25] =	ssyncadd.s32 $0xFFFFC000  }
0x88: {  	[tilespmem:s0], [sflag:$0x1] =	stream.indirect.gather [hbm4b:s1+s24], $0x80, s16, s24, $0xb8;
	[tilespmem:$0x1C880] =	vst v63  }
0x89: {  	_ =	swait.ge [sflag:s25], $0x4000  }
0x8a: {  	[sflag:s25] =	ssyncset.done $0x0  }
0x8b: {  	s17 =	simm.s32 $0x2700;
	[sflag:s25] =	ssyncadd.s32 $0xFFFFC000  }
0x8c: {  	[tilespmem:s26], [sflag:$0x1] =	stream.indirect.gather [hbm4b:s1+s24], $0x80, s17, s24, $0xb8;
	[tilespmem:$0x1C880] =	vst v63  }
0x8d: {  	_ =	swait.ge [sflag:s25], $0x4000  }
0x8e: {  	[sflag:s25] =	ssyncset.done $0x0  }
0x8f: {  	s18 =	simm.s32 $0x2780;
	[sflag:s25] =	ssyncadd.s32 $0xFFFFC000  }
0x90: {  	[tilespmem:s31], [sflag:$0x1] =	stream.indirect.gather [hbm4b:s1+s24], $0x80, s18, s24, $0xb8;
	[tilespmem:$0x1C880] =	vst v63  }
0x91: {  	_ =	swait.ge [sflag:s25], $0x4000  }
0x92: {  	[sflag:s25] =	ssyncset.done $0x0  }
0x93: {  	s29 =	rddreg [dreg:$0xb];
	[sflag:s25] =	ssyncadd.s32 $0xFFFFC000  }
0x94: {  	[hbm4b:s29+s3] =	stream.linear.scatter [tilespmem:s30], [sflag:$0x2], $0x10000, $0x38;
	[tilespmem:$0x1C880] =	vst v63  }
0x95: {  	_ =	swait.ge [sflag:s23], $0x10000  }
0x96: {  	[sflag:s23] =	ssyncset.done $0x0  }
0x97: {  	s11 =	simm.s32 $0x2800;
	[sflag:s23] =	ssyncadd.s32 $0xFFFF0000  }
0x98: {  	[tilespmem:s30], [sflag:$0x1] =	stream.indirect.gather [hbm4b:s1+s24], $0x80, s11, s24, $0xb8;
	[tilespmem:$0x1C880] =	vst v63  }
0x99: {  	_ =	swait.ge [sflag:s25], $0x4000  }
0x9a: {  	[sflag:s25] =	ssyncset.done $0x0  }
0x9b: {  	s12 =	simm.s32 $0x2880;
	[sflag:s25] =	ssyncadd.s32 $0xFFFFC000  }
0x9c: {  	[tilespmem:s0], [sflag:$0x1] =	stream.indirect.gather [hbm4b:s1+s24], $0x80, s12, s24, $0xb8;
	[tilespmem:$0x1C880] =	vst v63  }
0x9d: {  	_ =	swait.ge [sflag:s25], $0x4000  }
0x9e: {  	[sflag:s25] =	ssyncset.done $0x0  }
0x9f: {  	s13 =	simm.s32 $0x2900;
	[sflag:s25] =	ssyncadd.s32 $0xFFFFC000  }
0xa0: {  	[tilespmem:s26], [sflag:$0x1] =	stream.indirect.gather [hbm4b:s1+s24], $0x80, s13, s24, $0xb8;
	[tilespmem:$0x1C880] =	vst v63  }
0xa1: {  	_ =	swait.ge [sflag:s25], $0x4000  }
0xa2: {  	[sflag:s25] =	ssyncset.done $0x0  }
0xa3: {  	s14 =	simm.s32 $0x2980;
	[sflag:s25] =	ssyncadd.s32 $0xFFFFC000  }
0xa4: {  	[tilespmem:s31], [sflag:$0x1] =	stream.indirect.gather [hbm4b:s1+s24], $0x80, s14, s24, $0xb8;
	[tilespmem:$0x1C880] =	vst v63  }
0xa5: {  	_ =	swait.ge [sflag:s25], $0x4000  }
0xa6: {  	[sflag:s25] =	ssyncset.done $0x0  }
0xa7: {  	s15 =	rddreg [dreg:$0xc];
	[sflag:s25] =	ssyncadd.s32 $0xFFFFC000  }
0xa8: {  	[hbm4b:s15+s3] =	stream.linear.scatter [tilespmem:s30], [sflag:$0x2], $0x10000, $0x38;
	[tilespmem:$0x1C880] =	vst v63  }
0xa9: {  	_ =	swait.ge [sflag:s23], $0x10000  }
0xaa: {  	[sflag:s23] =	ssyncset.done $0x0  }
0xab: {  	s16 =	simm.s32 $0x2A00;
	[sflag:s23] =	ssyncadd.s32 $0xFFFF0000  }
0xac: {  	[tilespmem:s30], [sflag:$0x1] =	stream.indirect.gather [hbm4b:s1+s24], $0x80, s16, s24, $0xb8;
	[tilespmem:$0x1C880] =	vst v63  }
0xad: {  	_ =	swait.ge [sflag:s25], $0x4000  }
0xae: {  	[sflag:s25] =	ssyncset.done $0x0  }
0xaf: {  	s17 =	simm.s32 $0x2A80;
	[sflag:s25] =	ssyncadd.s32 $0xFFFFC000  }
0xb0: {  	[tilespmem:s0], [sflag:$0x1] =	stream.indirect.gather [hbm4b:s1+s24], $0x80, s17, s24, $0xb8;
	[tilespmem:$0x1C880] =	vst v63  }
0xb1: {  	_ =	swait.ge [sflag:s25], $0x4000  }
0xb2: {  	[sflag:s25] =	ssyncset.done $0x0  }
0xb3: {  	s18 =	simm.s32 $0x2B00;
	[sflag:s25] =	ssyncadd.s32 $0xFFFFC000  }
0xb4: {  	[tilespmem:s26], [sflag:$0x1] =	stream.indirect.gather [hbm4b:s1+s24], $0x80, s18, s24, $0xb8;
	[tilespmem:$0x1C880] =	vst v63  }
0xb5: {  	_ =	swait.ge [sflag:s25], $0x4000  }
0xb6: {  	[sflag:s25] =	ssyncset.done $0x0  }
0xb7: {  	s29 =	simm.s32 $0x2B80;
	[sflag:s25] =	ssyncadd.s32 $0xFFFFC000  }
0xb8: {  	[tilespmem:s31], [sflag:$0x1] =	stream.indirect.gather [hbm4b:s1+s24], $0x80, s29, s24, $0xb8;
	[tilespmem:$0x1C880] =	vst v63  }
0xb9: {  	_ =	swait.ge [sflag:s25], $0x4000  }
0xba: {  	[sflag:s25] =	ssyncset.done $0x0  }
0xbb: {  	s11 =	rddreg [dreg:$0xd];
	[sflag:s25] =	ssyncadd.s32 $0xFFFFC000  }
0xbc: {  	[hbm4b:s11+s3] =	stream.linear.scatter [tilespmem:s30], [sflag:$0x2], $0x10000, $0x38;
	[tilespmem:$0x1C880] =	vst v63  }
0xbd: {  	_ =	swait.ge [sflag:s23], $0x10000  }
0xbe: {  	[sflag:s23] =	ssyncset.done $0x0  }
0xbf: {  	s12 =	simm.s32 $0x2C00;
	[sflag:s23] =	ssyncadd.s32 $0xFFFF0000  }
0xc0: {  	[tilespmem:s30], [sflag:$0x1] =	stream.indirect.gather [hbm4b:s1+s24], $0x80, s12, s24, $0xb8;
	[tilespmem:$0x1C880] =	vst v63  }
0xc1: {  	_ =	swait.ge [sflag:s25], $0x4000  }
0xc2: {  	[sflag:s25] =	ssyncset.done $0x0  }
0xc3: {  	s13 =	simm.s32 $0x2C80;
	[sflag:s25] =	ssyncadd.s32 $0xFFFFC000  }
0xc4: {  	[tilespmem:s0], [sflag:$0x1] =	stream.indirect.gather [hbm4b:s1+s24], $0x80, s13, s24, $0xb8;
	[tilespmem:$0x1C880] =	vst v63  }
0xc5: {  	_ =	swait.ge [sflag:s25], $0x4000  }
0xc6: {  	[sflag:s25] =	ssyncset.done $0x0  }
0xc7: {  	s14 =	simm.s32 $0x2D00;
	[sflag:s25] =	ssyncadd.s32 $0xFFFFC000  }
0xc8: {  	[tilespmem:s26], [sflag:$0x1] =	stream.indirect.gather [hbm4b:s1+s24], $0x80, s14, s24, $0xb8;
	[tilespmem:$0x1C880] =	vst v63  }
0xc9: {  	_ =	swait.ge [sflag:s25], $0x4000  }
0xca: {  	[sflag:s25] =	ssyncset.done $0x0  }
0xcb: {  	s15 =	simm.s32 $0x2D80;
	[sflag:s25] =	ssyncadd.s32 $0xFFFFC000  }
0xcc: {  	[tilespmem:s31], [sflag:$0x1] =	stream.indirect.gather [hbm4b:s1+s24], $0x80, s15, s24, $0xb8;
	[tilespmem:$0x1C880] =	vst v63  }
0xcd: {  	_ =	swait.ge [sflag:s25], $0x4000  }
0xce: {  	[sflag:s25] =	ssyncset.done $0x0  }
0xcf: {  	[sflag:s25] =	ssyncadd.s32 $0xFFFFC000  }
0xd0: {  	[hbm4b:s19+s3] =	stream.linear.scatter [tilespmem:s30], [sflag:$0x2], $0x10000, $0x38;
	[tilespmem:$0x1C880] =	vst v63  }
0xd1: {  	_ =	swait.ge [sflag:s23], $0x10000  }
0xd2: {  	[sflag:s23] =	ssyncset.done $0x0  }
0xd3: {  	s16 =	simm.s32 $0x2E00;
	[sflag:s23] =	ssyncadd.s32 $0xFFFF0000  }
0xd4: {  	[tilespmem:s30], [sflag:$0x1] =	stream.indirect.gather [hbm4b:s1+s24], $0x80, s16, s24, $0xb8;
	[tilespmem:$0x1C880] =	vst v63  }
0xd5: {  	_ =	swait.ge [sflag:s25], $0x4000  }
0xd6: {  	[sflag:s25] =	ssyncset.done $0x0  }
0xd7: {  	s17 =	simm.s32 $0x2E80;
	[sflag:s25] =	ssyncadd.s32 $0xFFFFC000  }
0xd8: {  	[tilespmem:s0], [sflag:$0x1] =	stream.indirect.gather [hbm4b:s1+s24], $0x80, s17, s24, $0xb8;
	[tilespmem:$0x1C880] =	vst v63  }
0xd9: {  	_ =	swait.ge [sflag:s25], $0x4000  }
0xda: {  	[sflag:s25] =	ssyncset.done $0x0  }
0xdb: {  	s18 =	simm.s32 $0x2F00;
	[sflag:s25] =	ssyncadd.s32 $0xFFFFC000  }
0xdc: {  	[tilespmem:s26], [sflag:$0x1] =	stream.indirect.gather [hbm4b:s1+s24], $0x80, s18, s24, $0xb8;
	[tilespmem:$0x1C880] =	vst v63  }
0xdd: {  	_ =	swait.ge [sflag:s25], $0x4000  }
0xde: {  	[sflag:s25] =	ssyncset.done $0x0  }
0xdf: {  	s29 =	simm.s32 $0x2F80;
	[sflag:s25] =	ssyncadd.s32 $0xFFFFC000  }
0xe0: {  	[tilespmem:s31], [sflag:$0x1] =	stream.indirect.gather [hbm4b:s1+s24], $0x80, s29, s24, $0xb8;
	[tilespmem:$0x1C880] =	vst v63  }
0xe1: {  	_ =	swait.ge [sflag:s25], $0x4000  }
0xe2: {  	[sflag:s25] =	ssyncset.done $0x0  }
.Ltmp4:
0xe3: {  	[sflag:s25] =	ssyncadd.s32 $0xFFFFC000;
	(pc) =	sbr.rel .LBB2_15-.Ltmp4, $4  }
0xe4: {  	[hbm4b:s20+s3] =	stream.linear.scatter [tilespmem:s30], [sflag:$0x2], $0x10000, $0x38;
	[tilespmem:$0x1C880] =	vst v63  }
0xe5: {  	_ =	swait.ge [sflag:s23], $0x10000  }
0xe6: {  	[sflag:s23] =	ssyncset.done $0x0  }
0xe7: {  	[sflag:s23] =	ssyncadd.s32 $0xFFFF0000  }
.LBB2_5:
0xe8: {  	s10 =	simm.s32 $0x40;
	s11 =	simm.s32 $0x0  }
.LBB2_6:
0xe9: {  	p1 =	seq.s32 s10, $0xFFC0;
	[tilespmem:s11+$0x17000] =	vst v2;
	s11 =	smov.u32 s10;
	s10 =	sadd.s32 $0x40, s10  }
.Ltmp5:
0xea: {  	(pc) =	sbr.rel @!p1 .LBB2_6-.Ltmp5, $2  }
0xeb: {  	_ =	sdelay $0x2  }
0xec: {  	s11 =	sshra.s32 s11, $0x2  }
0xed: {  	[tilespmem:s11+$0x17000] =	vst v2;
	s10 =	simm.s32 $0x0;
	s13 =	simm.s32 $0x10;
	s12 =	simm.s32 $0x0  }
.LBB2_8:
0xee: {  	s11 =	sshll.u32 s12, $0x9  }
0xef: {  	s11 =	sadd.s32 s6, s11  }
0xf0: {  	[tilespmem:s2], [sflag:$0x2] =	stream.linear.gather [hbm4b:s11+s10], $0x1000, $0x38;
	[tilespmem:$0x1C880] =	vst v63  }
0xf1: {  	_ =	swait.ge [sflag:s23], $0x1000  }
0xf2: {  	[sflag:s23] =	ssyncset.done $0x0  }
0xf3: {  	s14 =	simm.s32 $0x0;
	s11 =	smov.u32 s13;
	[sflag:s23] =	ssyncadd.s32 $0xFFFFF000  }
.LBB2_9:
0xf4: {  	s15 =	sshra.s32 s14, $0x2  }
0xf5: {  	v5 =	vld [tilespmem:s15+$0x1B000];
	_ =	sdelay $0x4  }
0xf6: {  	vm0 =	vge.s32 v5, v1;
	vm1 =	vlt.s32 v5, v0  }
0xf7: {  	vm0 =	vmand vm0, vm1  }
0xf8: {  	v6 =	vsel vm0, $0x3F800000, v3  }
0xf9: {  	(xrf0) =	vmax.scan.msk.f32 $0xffff, v6;
	_ =	sdelay $0x5  }
0xfa: {  	v6, _, _ =	vpop (xrf0)  }
0xfb: {  	(v2sf) =	vpush v6, $0xF;
	_ =	sdelay $0xe  }
0xfc: {  	s16 =	spop (v2sf)  }
0xfd: {  	p1 =	sgt.f32 s16, $0.0e+00;
	_ =	sdelay $0x1  }
0xfe: {  	v5 =	vsub.s32 @p1 v5, v1  }
0xff: {  	s16 =	sadd.s32 @p1 $0xFFFFFFF0, s11;
	v5 =	vshll.u32 @p1 v5, $0x11  }
0x100: {  	v6 =	vlaneseq.u32 @p1;
	v5 =	vadd.s32 @p1 s16, v5  }
0x101: {  	v5 =	vadd.s32 @p1 v6, v5  }
0x102: {  	v5 =	vnsel @p1 vm0, $0xFFFFFFFF, v5  }
0x103: {  	v6 =	vxor.u32 @p1 $0x80000000, v5  }
0x104: {  	(xrf1) =	vsort.ascd.msk.u32 @p1 $0xffff, v6, v5;
	_ =	sdelay $0x4  }
0x105: {  	v5 =	vimm.s32 @p1 $0xFFEDCBA9;
	v6 =	vimm.s32 @p1 $0x87654321  }
0x106: {  	v5 =	vunpack.c.l.s4.s8 @p1 v5;
	v6 =	vunpack.c.l.s4.s8 @p1 v6;
	_ =	sdelay $0x1  }
0x107: {  	v5 =	vunpack.c.0.s8.s32 @p1 v5;
	v6 =	vunpack.c.0.s8.s32 @p1 v6;
	_ =	sdelay $0x1  }
0x108: {  	v5 =	vcombine.low @p1 v6, v5;
	_ =	sdelay $0x1  }
0x109: {  	v5 =	vand.u32 @p1 $0xF, v5;
	_ =	sdelay $0x1  }
0x10a: {  	v6, _, _ =	vpop @p1 (xrf1)  }
0x10b: {  	v7 =	vxor.u32 @p1 $0x80000000, v6  }
0x10c: {  	s16 =	simm.s32 @p1 $0x1C800;
	[tilespmem:$0x1C800] =	vst @p1 v7  }
0x10d: {  	v5 =	vld.idx.msk @p1 [tilespmem:v5+s16+$0x0], $0xffff;
	_ =	sdelay $0x4  }
0x10e: {  	v7 =	vshra.s32 @p1 v7, $0x11;
	v5 =	vshra.s32 @p1 v5, $0x11  }
0x10f: {  	vm1 =	vcmask @p1 $0x3F3C;
	vm0 =	vne.s32 @p1 v7, v5  }
0x110: {  	vm0 =	vmor @p1 vm0, vm1;
	vm1 =	vlt.s32 @p1 v6, $0x0  }
0x111: {  	vm0 =	vmand @p1 vm1, vm0;
	vm1 =	vgt.s32 @p1 v7, $0x0  }
0x112: {  	v5 =	vnsel @p1 vm1, $0x0, v7;
	_ =	sdelay $0x3  }
0x113: {  	s16 =	simm.s32 @p1 $0x17000;
	v6 =	vand.u32 @p1 $0x1FFFF, v6  }
0x114: {  	[tilespmem:v5+s16+$0x0] =	vst.idx.msk @p1 vm0, v6  }
0x115: {  	v5 =	vld [tilespmem:s15+$0x1B010];
	_ =	sdelay $0x4  }
0x116: {  	vm14 =	vge.s32 v5, v1;
	vm15 =	vlt.s32 v5, v0  }
0x117: {  	vm0 =	vmand vm14, vm15  }
0x118: {  	v6 =	vsel vm0, $0x3F800000, v3  }
0x119: {  	(xrf0) =	vmax.scan.msk.f32 $0xffff, v6;
	_ =	sdelay $0x5  }
0x11a: {  	v6, _, _ =	vpop (xrf0)  }
0x11b: {  	(v2sf) =	vpush v6, $0xF;
	_ =	sdelay $0xe  }
0x11c: {  	s29 =	spop (v2sf)  }
0x11d: {  	p1 =	sgt.f32 s29, $0.0e+00;
	_ =	sdelay $0x1  }
0x11e: {  	v5 =	vsub.s32 @p1 v5, v1  }
0x11f: {  	v5 =	vshll.u32 @p1 v5, $0x11  }
0x120: {  	v6 =	vlaneseq.u32 @p1;
	v5 =	vor.u32 @p1 s11, v5  }
0x121: {  	v5 =	vor.u32 @p1 v6, v5  }
0x122: {  	v5 =	vnsel @p1 vm0, $0xFFFFFFFF, v5  }
0x123: {  	v6 =	vxor.u32 @p1 $0x80000000, v5  }
0x124: {  	(xrf1) =	vsort.ascd.msk.u32 @p1 $0xffff, v6, v5;
	_ =	sdelay $0x4  }
0x125: {  	v5 =	vimm.s32 @p1 $0xFFEDCBA9;
	v6 =	vimm.s32 @p1 $0x87654321  }
0x126: {  	v5 =	vunpack.c.l.s4.s8 @p1 v5;
	v6 =	vunpack.c.l.s4.s8 @p1 v6;
	_ =	sdelay $0x1  }
0x127: {  	v5 =	vunpack.c.0.s8.s32 @p1 v5;
	v6 =	vunpack.c.0.s8.s32 @p1 v6;
	_ =	sdelay $0x1  }
0x128: {  	v5 =	vcombine.low @p1 v6, v5;
	_ =	sdelay $0x1  }
0x129: {  	v5 =	vand.u32 @p1 $0xF, v5;
	_ =	sdelay $0x1  }
0x12a: {  	v6, _, _ =	vpop @p1 (xrf1)  }
0x12b: {  	v7 =	vxor.u32 @p1 $0x80000000, v6  }
0x12c: {  	s15 =	simm.s32 @p1 $0x1C800;
	[tilespmem:$0x1C800] =	vst @p1 v7  }
0x12d: {  	v5 =	vld.idx.msk @p1 [tilespmem:v5+s15+$0x0], $0xffff;
	_ =	sdelay $0x4  }
0x12e: {  	v7 =	vshra.s32 @p1 v7, $0x11;
	v5 =	vshra.s32 @p1 v5, $0x11  }
0x12f: {  	vm1 =	vcmask @p1 $0x3F3C;
	vm0 =	vne.s32 @p1 v7, v5  }
0x130: {  	vm0 =	vmor @p1 vm0, vm1;
	vm1 =	vlt.s32 @p1 v6, $0x0  }
0x131: {  	s14 =	sadd.s32 $0x80, s14;
	vm0 =	vmand @p1 vm1, vm0;
	vm1 =	vgt.s32 @p1 v7, $0x0  }
0x132: {  	p2 =	sne.s32 s14, $0x4000;
	v5 =	vnsel @p1 vm1, $0x0, v7  }
.Ltmp6:
0x133: {  	_ = 	snop;
	(pc) =	sbr.rel @p2 .LBB2_9-.Ltmp6, $3  }
0x134: {  	_ =	sdelay $0x1  }
0x135: {  	s15 =	simm.s32 @p1 $0x17000;
	v6 =	vand.u32 @p1 $0x1FFFF, v6  }
0x136: {  	s11 =	sadd.s32 $0x20, s11;
	[tilespmem:v5+s15+$0x0] =	vst.idx.msk @p1 vm0, v6  }
0x137: {  	s12 =	sadd.s32 $0x1, s12  }
0x138: {  	p1 =	sne.s32 s12, $0x20  }
.Ltmp7:
0x139: {  	_ = 	snop;
	(pc) =	sbr.rel @p1 .LBB2_8-.Ltmp7, $2  }
0x13a: {  	_ =	sdelay $0x2  }
0x13b: {  	s13 =	sadd.s32 $0x1000, s13;
	s11 =	simm.s32 $0x0  }
0x13c: {  	s10 =	smov.u32 s22;
	s12 =	simm.s32 $0x0  }
.LBB2_12:
0x13d: {  	s13 =	sshll.u32 s12, $0xB  }
0x13e: {  	s14 =	sand.u32 $0x780, s11;
	s15 =	sadd.s32 $0x17000, s13  }
0x13f: {  	s16 =	sand.u32 $0x70, s11;
	s14 =	sadd.s32 s14, s15  }
0x140: {  	s14 =	sadd.s32 s16, s14  }
0x141: {  	v5 =	vld [tilespmem:s14+$0x0];
	_ =	sdelay $0x3  }
0x142: {  	s18 =	sadd.s32 $0x0, s10;
	s16 =	simm.s32 $0x10  }
0x143: {  	s29 =	simm.s32 $0x20;
	v6 =	vadd.s32 s18, v4;
	s14 =	simm.s32 $0x1C000;
	s17 =	sand.u32 $0x780, s16;
	vm0 =	vlt.s32 v5, $0x0  }
.LBB2_13:
0x144: {  	p1 =	sne.s32 s29, $0x7F0;
	s18 =	sand.u32 $0x70, s16;
	s17 =	sadd.s32 s17, s15;
	v5 =	vsel vm0, v6, v5  }
0x145: {  	s17 =	sadd.s32 s18, s17;
	[tilespmem:s14+$0x0] =	vst v5  }
0x146: {  	v5 =	vld [tilespmem:s17+$0x0]  }
.Ltmp8:
0x147: {  	(pc) =	sbr.rel @p1 .LBB2_13-.Ltmp8, $3  }
0x148: {  	_ =	sdelay $0x1  }
0x149: {  	s18 =	sadd.s32 s16, s10;
	s16 =	smov.u32 s29  }
0x14a: {  	s29 =	sadd.s32 $0x10, s29;
	s14 =	sadd.s32 $0x10, s14;
	s17 =	sand.u32 $0x780, s16;
	v6 =	vadd.s32 s18, v4;
	vm0 =	vlt.s32 v5, $0x0  }
0x14b: {  	s18 =	sand.u32 $0x70, s16;
	s15 =	sadd.s32 s17, s15;
	v5 =	vsel vm0, v6, v5  }
0x14c: {  	s15 =	sadd.s32 s18, s15;
	[tilespmem:s14+$0x0] =	vst v5  }
0x14d: {  	v5 =	vld [tilespmem:s15+$0x0];
	_ =	sdelay $0x3  }
0x14e: {  	s18 =	sadd.s32 s16, s10  }
0x14f: {  	s13 =	sadd.s32 s8, s13;
	v6 =	vadd.s32 s18, v4;
	vm15 =	vlt.s32 v5, $0x0  }
0x150: {  	s29 =	sadd.s32 $0x10, s14;
	s12 =	sadd.s32 $0x1, s12;
	s13 =	sshrl.u32 s13, $0x3;
	v5 =	vsel vm15, v6, v5  }
0x151: {  	p1 =	sne.s32 s12, $0x8;
	s13 =	sadd.s32 s7, s13;
	[tilespmem:s29+$0x0] =	vst v5  }
0x152: {  	[hbm4b:s13+s3] =	stream.linear.scatter [tilespmem:s28], [sflag:$0x2], $0x800, $0x38;
	[tilespmem:$0x1C880] =	vst v63  }
.Ltmp9:
0x153: {  	_ = 	snop;
	(pc) =	sbr.rel @p1 .LBB2_12-.Ltmp9, $4  }
.Ltmp10:
0x154: {  	_ = 	snop;
	(pc) =	sbr.rel @!p1 .LBB2_15-.Ltmp10, $4  }
0x155: {  	_ =	swait.ge [sflag:s23], $0x800  }
0x156: {  	[sflag:s23] =	ssyncset.done $0x0  }
0x157: {  	s10 =	sadd.s32 $0x800, s10;
	[sflag:s23] =	ssyncadd.s32 $0xFFFFF800  }
0x158: {  	_ = 	snop  }
.LBB2_16:
0x159: {  	_ =	sfence.sel $0x180000  }
0x15a: {  	[bflag:$0x0] =	sbarrier.arrive $0xFFFF  }
0x15b: {  	_ =	strace $0x90000047  }
0x15c: {  	s0 =	stileid.u32;
	[bflag:$0x2] =	sbarrier.arrive $0xFFFF  }
0x15d: {  	p0 =	sne.s32 s0, $0x0;
	s0 =	rddreg [dreg:$0x3]  }
0x15e: {  	s0 =	sadd.s32 @!p0 $0x100000, s0  }
0x15f: {  	[sflag:s0] =	ssyncadd.tile.s32 @!p0 $0x1;
	_ =	shalt  }
.Lfunc_end2:
_tile_overlayer_lowered:
.L_overlay_start_2:
0x160: {  	(tag) =	ssettag $0x2  }
0x161: {  	s0 =	rddreg [dreg:$0x0];
	s2 =	stileid.u32  }
0x162: {  	s1 =	rddreg [dreg:$0x1];
	p0 =	sne.s32 s2, $0x0  }
0x163: {  	s3 =	rddreg [dreg:$0x2];
	[bflag:$0x3] =	sbarrier.arrive $0xFFFF;
	s2 =	simm.s32 @!p0 $0x1C02  }
0x164: {  	[timem:s3], [sflag:s2] =	dma.local @!p0 [hbm:s0], s1  }
0x165: {  	s0 =	simm.s32 @!p0 $0x2  }
0x166: {  	_ =	swait.ge @!p0 [sflag:s0], s1  }
0x167: {  	s1 =	ssub.s32 @!p0 $0x0, s1;
	[sflag:s0] =	ssyncset.done @!p0 $0x0  }
0x168: {  	[sflag:s0] =	ssyncadd.s32 @!p0 s1  }
0x169: {  	[bflag:$0x3] =	sbarrier.arrive $0xFFFF  }
0x16a: {  	_ =	shalt  }

// kernel: kernel.9.cloned.1.call-start
scs
__scs_entry_jumppad:
0x0: {  	(pc) =	sbr.rel $0x88, $3  }
0x1: {  	(tag) =	ssettag $0x0;
	lr =	simm.s32 $0x1  }
0x2: {  	[smem:$0x3F85] =	sst lr;
	_ =	strace $0xD0000000  }
0x3: {  	_ = 	snop  }
0x4: {  	_ = 	snop  }
0x5: {  	_ = 	snop  }
0x6: {  	_ = 	snop  }
0x7: {  	_ = 	snop  }
__scs_overlays_trampoline_lowered:
0x8: {  	[smem:$0x3F94] =	sst s0  }
0x9: {  	[smem:$0x3F95] =	sst s1  }
0xa: {  	[smem:$0x3F96] =	sst s2  }
0xb: {  	[smem:$0x3F97] =	sst s3  }
0xc: {  	[smem:$0x3F98] =	sst s4  }
0xd: {  	[smem:$0x3F99] =	sst s5  }
0xe: {  	[smem:$0x3F9A] =	sst s6  }
0xf: {  	[smem:$0x3F9B] =	sst s7  }
0x10: {  	[smem:$0x3F9C] =	sst s8  }
0x11: {  	[smem:$0x3F9D] =	sst s9;
	s0 =	simm.s32 @!p0 $0x0  }
0x12: {  	s1 =	sld [smem:$0x3F83];
	s0 =	simm.s32 @p0 $0x1  }
0x13: {  	[smem:$0x3F9E] =	sst s0;
	s0 =	simm.s32 @!p1 $0x0  }
0x14: {  	s2 =	sld [smem:$0x3F82];
	s0 =	simm.s32 @p1 $0x1  }
0x15: {  	[smem:$0x3F9F] =	sst s0;
	s0 =	simm.s32 @!p2 $0x0  }
0x16: {  	s3 =	sld [smem:$0x3FDB];
	s0 =	simm.s32 @p2 $0x1  }
0x17: {  	s4 =	simm.s32 $0x1BF5;
	[smem:$0x3FA1] =	sst s0  }
0x18: {  	s0 =	sld [smem:$0x3F84];
	_ =	swait.ge [sflag:s4], $0x0  }
0x19: {  	s7 =	sld [smem:$0x3F85]  }
0x1a: {  	s8 =	sadd.s32 $0xFFFFE003, lr  }
0x1b: {  	s9 =	sadd.s32 $0xFFFFFEF7, lr;
	s5 =	simm.s32 $0xFFFFFFFF;
	p2 =	slt.u32 s8, $0xFFFFF086  }
0x1c: {  	p1 =	slt.u32 s9, $0xF7A;
	s5 =	simm.s32 @!p2 $0x0  }
0x1d: {  	s5 =	simm.s32 @p1 $0x1;
	p0 =	seq.s32 s7, s2  }
0x1e: {  	s7 =	smul.u32 @!p0 $0xF7A, s2;
	p2 =	seq.s32 @!p0 s5, $0x0  }
0x1f: {  	s9 =	smul.u32 $0xF7A, s1;
	s8 =	simm.s32 @!p0 $0x1BF5;
	p2 =	por !p2, p0  }
0x20: {  	[sflag:s8] =	ssyncset.s32 @!p0 $0xFFFFF086;
	s6 =	sadd.s32 @!p0 s3, s7;
	s7 =	simm.s32 @!p0 $0x108  }
0x21: {  	s3 =	sadd.s32 s3, s9;
	s6 =	sadd.s32 @!p0 $0x88, s6;
	s7 =	simm.s32 @p2 $0x1082  }
0x22: {  	[simem:s7], [sflag:s8] =	dma.local @!p0 [hbm:s6], $0xF7A  }
0x23: {  	s9 =	sor.u32 $0xD0000000, s2;
	s6 =	simm.s32 $0x108;
	_ =	swait.ge @!p0 [sflag:s8], $0x0  }
0x24: {  	s3 =	sadd.s32 $0x88, s3;
	s6 =	simm.s32 @!p1 $0x1082;
	[sflag:s4] =	ssyncset.s32 $0xFFFFF086  }
0x25: {  	[simem:s6], [sflag:s4] =	dma.local [hbm:s3], $0xF7A  }
0x26: {  	[smem:$0x3F85] =	sst s1;
	(tag) =	ssettag s2;
	_ =	strace s9  }
0x27: {  	s1 =	sld [smem:$0x3F95]  }
0x28: {  	s2 =	sld [smem:$0x3F96]  }
0x29: {  	s4 =	sld [smem:$0x3F98]  }
0x2a: {  	p0 =	seq.s32 s5, $0x0;
	s5 =	sld [smem:$0x3F99]  }
0x2b: {  	s6 =	sld [smem:$0x3F9A]  }
0x2c: {  	s7 =	sld [smem:$0x3F9B]  }
0x2d: {  	s3 =	simm.s32 $0x108;
	s8 =	sld [smem:$0x3F9C]  }
0x2e: {  	s3 =	simm.s32 @!p0 $0x1082;
	s9 =	sld [smem:$0x3F9D]  }
0x2f: {  	lr =	sadd.s32 s0, s3;
	s0 =	sld [smem:$0x3F94]  }
0x30: {  	s3 =	sld [smem:$0x3F97]  }
0x31: {  	[smem:$0x3FA0] =	sst s10  }
0x32: {  	s10 =	sld [smem:$0x3F9E];
	_ =	sdelay $0x3  }
0x33: {  	p0 =	seq.s32 s10, $0x1;
	s10 =	sld [smem:$0x3FA0];
	_ =	sdelay $0x3  }
0x34: {  	[smem:$0x3FA0] =	sst s10  }
0x35: {  	s10 =	sld [smem:$0x3F9F];
	_ =	sdelay $0x3  }
0x36: {  	p1 =	seq.s32 s10, $0x1;
	s10 =	sld [smem:$0x3FA0];
	_ =	sdelay $0x3  }
0x37: {  	[smem:$0x3FA0] =	sst s10  }
0x38: {  	s10 =	sld [smem:$0x3FA1]  }
0x39: {  	_ = 	snop;
	(pc) =	sbr.ind lr, $3  }
0x3a: {  	_ = 	snop  }
0x3b: {  	_ = 	snop  }
0x3c: {  	p2 =	seq.s32 s10, $0x1;
	s10 =	sld [smem:$0x3FA0]  }
0x3d: {  	_ =	shalt  }
0x3e: {  	_ =	shalt  }
0x3f: {  	_ =	shalt  }
0x40: {  	_ =	shalt  }
0x41: {  	_ =	shalt  }
0x42: {  	_ =	shalt  }
0x43: {  	_ =	shalt  }
0x44: {  	_ =	shalt  }
0x45: {  	_ =	shalt  }
0x46: {  	_ =	shalt  }
0x47: {  	_ =	shalt  }
0x48: {  	_ =	shalt  }
0x49: {  	_ =	shalt  }
0x4a: {  	_ =	shalt  }
0x4b: {  	_ =	shalt  }
0x4c: {  	_ =	shalt  }
0x4d: {  	_ =	shalt  }
0x4e: {  	_ =	shalt  }
0x4f: {  	_ =	shalt  }
0x50: {  	_ =	shalt  }
0x51: {  	_ =	shalt  }
0x52: {  	_ =	shalt  }
0x53: {  	_ =	shalt  }
0x54: {  	_ =	shalt  }
0x55: {  	_ =	shalt  }
0x56: {  	_ =	shalt  }
0x57: {  	_ =	shalt  }
0x58: {  	_ =	shalt  }
0x59: {  	_ =	shalt  }
0x5a: {  	_ =	shalt  }
0x5b: {  	_ =	shalt  }
0x5c: {  	_ =	shalt  }
0x5d: {  	_ =	shalt  }
0x5e: {  	_ =	shalt  }
0x5f: {  	_ =	shalt  }
0x60: {  	_ =	shalt  }
0x61: {  	_ =	shalt  }
0x62: {  	_ =	shalt  }
0x63: {  	_ =	shalt  }
0x64: {  	_ =	shalt  }
0x65: {  	_ =	shalt  }
0x66: {  	_ =	shalt  }
0x67: {  	_ =	shalt  }
0x68: {  	_ =	shalt  }
0x69: {  	_ =	shalt  }
0x6a: {  	_ =	shalt  }
0x6b: {  	_ =	shalt  }
0x6c: {  	_ =	shalt  }
0x6d: {  	_ =	shalt  }
0x6e: {  	_ =	shalt  }
0x6f: {  	_ =	shalt  }
0x70: {  	_ =	shalt  }
0x71: {  	_ =	shalt  }
0x72: {  	_ =	shalt  }
0x73: {  	_ =	shalt  }
0x74: {  	_ =	shalt  }
0x75: {  	_ =	shalt  }
0x76: {  	_ =	shalt  }
0x77: {  	_ =	shalt  }
0x78: {  	_ =	shalt  }
0x79: {  	_ =	shalt  }
0x7a: {  	_ =	shalt  }
0x7b: {  	_ =	shalt  }
0x7c: {  	_ =	shalt  }
0x7d: {  	_ =	shalt  }
0x7e: {  	_ =	shalt  }
0x7f: {  	_ =	shalt  }
0x80: {  	_ =	shalt  }
0x81: {  	_ =	shalt  }
0x82: {  	_ =	shalt  }
0x83: {  	_ =	shalt  }
0x84: {  	_ =	shalt  }
0x85: {  	_ =	shalt  }
0x86: {  	_ =	shalt  }
0x87: {  	_ =	shalt  }
.Lfunc_end0:
.L_simem_size_0:
called_computation.1_lowered:
.L_overlay_start_0:
0x88: {  	s2 =	sld [smem:$0x3FD9]  }
0x89: {  	s3 =	sld [smem:$0x3FFE];
	_ =	sdelay $0x1  }
0x8a: {  	s1 =	srdreg.scid  }
0x8b: {  	s0 =	sand.u32 $0x1, s1  }
0x8c: {  	s17 =	sshll.u32 s0, $0xA;
	s2 =	sadd.s32 s3, s2  }
0x8d: {  	s2 =	sadd.s32 s2, s17  }
0x8e: {  	[smem:$0x3FAC] =	sst s2  }
0x8f: {  	_ = 	snop  }
0x90: {  	s2 =	sld [smem:$0x3FD0];
	(tm) =	ssettm $0x1  }
0x91: {  	s18 =	sld [smem:$0x3FFB];
	_ =	sdelay $0x3  }
0x92: {  	_ =	strace s18  }
0x93: {  	s3 =	sld [smem:$0x3FFC];
	_ =	sdelay $0x3  }
0x94: {  	_ =	strace s3  }
0x95: {  	s3 =	sld [smem:$0x3FFD];
	_ =	sdelay $0x3  }
0x96: {  	_ =	strace s3  }
0x97: {  	_ =	strace $0x8FFFFFFF  }
0x98: {  	s19 =	sld [smem:$0x3FDB];
	_ =	sdelay $0x1  }
0x99: {  	s4 =	simm.s32 $_scs_section_size  }
0x9a: {  	s5 =	simm.s32 $_size__tile_overlayer_lowered;
	s6 =	simm.s32 $_tile_overlayer_lowered  }
0x9b: {  	s22 =	simm.s32 $0x1BFF;
	s21 =	sshll.u32 s6, $0x1;
	s3 =	sadd.s32 s4, s19  }
0x9c: {  	s7 =	simm.s32 $0x0;
	s20 =	sshll.u32 s5, $0x1;
	s5 =	sadd.s32 s21, s3  }
0x9d: {  	[timem:s7], [sflag:s22] =	dma.local [hbm:s5], s20  }
0x9e: {  	_ =	swait.ge [sflag:s22], s20  }
0x9f: {  	s4 =	ssub.s32 $0x0, s20;
	[sflag:s22] =	ssyncset.done $0x0  }
0xa0: {  	[sflag:s22] =	ssyncadd.s32 s4;
	_ =	sdelay $0x1  }
0xa1: {  	s23 =	simm.s32 $0x1B8B  }
0xa2: {  	_ =	swait.ge [sflag:s23], $0x1  }
0xa3: {  	[sflag:s23] =	ssyncset.done $0x0  }
0xa4: {  	s25 =	simm.s32 $0x1B8E;
	s24 =	sld [smem:$0x3FFE];
	[sflag:s23] =	ssyncadd.s32 $0xFFFFFFFF  }
0xa5: {  	s26 =	simm.s32 $execute0_lowered;
	[smem:$0x3FD2] =	sst s25  }
0xa6: {  	s5 =	sshll.u32 s26, $0x1;
	_ =	strace $0x80000049;
	[dreg:$0x1] =	wrdreg $0xFFFFFFFF  }
0xa7: {  	s28 =	simm.s32 $_size_execute0_lowered;
	s3 =	sadd.s32 s3, s5;
	[dreg:$0x0] =	wrdreg $0x0  }
0xa8: {  	s5 =	sshll.u32 s28, $0x1;
	[dreg:$0x2] =	wrdreg s3  }
0xa9: {  	[dreg:$0x3] =	wrdreg s5  }
0xaa: {  	[dreg:$0x4] =	wrdreg $0xC0  }
0xab: {  	_ =	task [dreg:s7], $0x5FFFF  }
0xac: {  	[dreg:$0x1] =	wrdreg $0xFFFFFFFF  }
0xad: {  	[dreg:$0x0] =	wrdreg $0x60  }
0xae: {  	[dreg:$0x2] =	wrdreg s24  }
0xaf: {  	[dreg:$0x3] =	wrdreg s2  }
0xb0: {  	[dreg:$0x4] =	wrdreg $0x9  }
0xb1: {  	_ =	task.clear_ibuf [dreg:s7], $0x5FFFF;
	_ =	strace $0x90000049  }
0xb2: {  	s29 =	simm.s32 $0x9;
	_ =	strace $0x8000004B  }
0xb3: {  	_ =	swait.ge [sflag:s29], $0x1  }
0xb4: {  	[sflag:s29] =	ssyncadd.s32 $0xFFFFFFFF  }
0xb5: {  	_ =	strace $0x9000004B  }
0xb6: {  	_ =	sfence  }
0xb7: {  	s30 =	sld [smem:$0x0];
	_ =	sdelay $0x2  }
0xb8: {  	s31 =	sshll.u32 s1, $0xD;
	s1 =	sshrl.u32 s1, $0x2  }
0xb9: {  	s3 =	sand.u32 $0x4000, s31;
	s1 =	sadd.s32 s1, s30  }
0xba: {  	s0 =	sor.u32 s3, s0;
	s1 =	sshll.u32 s1, $0x11  }
0xbb: {  	s0 =	sor.u32 s1, s0  }
0xbc: {  	s0 =	sadd.s32 $0x8F2B, s0  }
0xbd: {  	[sflag:s0] =	ssyncadd.remote.s32 $0x1  }
0xbe: {  	_ =	sfence.sel $0xFFFF  }
0xbf: {  	[dreg:$0x0] =	wrdreg $0xFFFFFFFF;
	(pc) =	sbr.abs _section_cstart, $3  }
0xc0: {  	[dreg:$0x1] =	wrdreg $0xFFFFFFFF  }
0xc1: {  	_ =	task.clear_ibuf [dreg:s7], $0x2FFFF;
	_ =	strace $0x9FFFFFFF  }
0xc2: {  	(tm) =	ssettm $0x7FFFFFFF  }
0xc3: {  	_ =	shalt  }
tec
execute0_lowered:
.L_overlay_start_1:
0x0: {  	(tag) =	ssettag $0x1  }
0x1: {  	s1 =	srdreg.scid;
	s3 =	rddreg [dreg:$0x0]  }
0x2: {  	s0 =	stileid.u32;
	s6 =	rddreg [dreg:$0x1]  }
0x3: {  	s2 =	simm.s32 $0x0;
	s9 =	simm.s32 $0x200;
	s10 =	simm.s32 $0x1  }
0x4: {  	s11 =	simm.s32 $0x4200;
	s12 =	simm.s32 $0x100;
	s13 =	simm.s32 $0x8200  }
0x5: {  	s14 =	simm.s32 $0x180;
	s15 =	simm.s32 $0xC200;
	s16 =	simm.s32 $0x0  }
0x6: {  	s5 =	sand.u32 $0x1, s1;
	s4 =	sshll.u32 s0, $0xE;
	s1 =	rddreg [dreg:$0x2]  }
0x7: {  	[smem:$0x7FF] =	sst s2;
	s31 =	sshll.u32 s0, $0x12;
	s7 =	sshll.u32 s5, $0xD  }
0x8: {  	s29 =	ssub.s32 $0x2, s5;
	_ =	strace $0x8000004A;
	s6 =	sadd.s32 s31, s6  }
0x9: {  	s5 =	sshll.u32 s5, $0x11;
	s4 =	sor.u32 s7, s4;
	s30 =	sshrl.u32 s29, $0x1  }
0xa: {  	s5 =	sadd.s32 s5, s6;
	s7 =	simm.s32 $0x2;
	s4 =	sshrl.u32 s4, $0x3  }
0xb: {  	s8 =	sadd.s32 s4, s3;
	s3 =	sadd.s32 $0x628200, s3;
	s4 =	ssub.s32 s29, s30  }
0xc: {  	s4 =	smax.u32 s4, $0x1;
	s6 =	sadd.s32 $0x11FA00, s8;
	s8 =	simm.s32 $0x80  }
.LBB2_1:
0xd: {  	s17 =	sadd.s32 $0x0, s6  }
0xe: {  	[tilespmem:s2], [sflag:$0x2] =	stream.linear.gather [hbm4b:s17+s2], $0x200, $0x38;
	[tilespmem:$0x10200] =	vst v63  }
0xf: {  	_ =	swait.ge [sflag:s7], $0x200  }
0x10: {  	[sflag:s7] =	ssyncset.done $0x0  }
0x11: {  	[sflag:s7] =	ssyncadd.s32 $0xFFFFFE00  }
0x12: {  	[tilespmem:s9], [sflag:$0x1] =	stream.indirect.gather [hbm4b:s3+s8], $0x80, s2, s8, $0xb8;
	[tilespmem:$0x10200] =	vst v63  }
0x13: {  	_ =	swait.ge [sflag:s10], $0x4000  }
0x14: {  	[sflag:s10] =	ssyncset.done $0x0  }
0x15: {  	[sflag:s10] =	ssyncadd.s32 $0xFFFFC000  }
0x16: {  	[tilespmem:s11], [sflag:$0x1] =	stream.indirect.gather [hbm4b:s3+s8], $0x80, s8, s8, $0xb8;
	[tilespmem:$0x10200] =	vst v63  }
0x17: {  	_ =	swait.ge [sflag:s10], $0x4000  }
0x18: {  	[sflag:s10] =	ssyncset.done $0x0  }
0x19: {  	[sflag:s10] =	ssyncadd.s32 $0xFFFFC000  }
0x1a: {  	[tilespmem:s13], [sflag:$0x1] =	stream.indirect.gather [hbm4b:s3+s8], $0x80, s12, s8, $0xb8;
	[tilespmem:$0x10200] =	vst v63  }
0x1b: {  	_ =	swait.ge [sflag:s10], $0x4000  }
0x1c: {  	[sflag:s10] =	ssyncset.done $0x0  }
0x1d: {  	[sflag:s10] =	ssyncadd.s32 $0xFFFFC000  }
0x1e: {  	[tilespmem:s15], [sflag:$0x1] =	stream.indirect.gather [hbm4b:s3+s8], $0x80, s14, s8, $0xb8;
	[tilespmem:$0x10200] =	vst v63  }
0x1f: {  	_ =	swait.ge [sflag:s10], $0x4000  }
0x20: {  	[sflag:s10] =	ssyncset.done $0x0  }
0x21: {  	[sflag:s10] =	ssyncadd.s32 $0xFFFFC000  }
0x22: {  	[hbm4b:s5+s2] =	stream.linear.scatter [tilespmem:s9], [sflag:$0x2], $0x10000, $0x38;
	[tilespmem:$0x10200] =	vst v63  }
0x23: {  	s18 =	simm.s32 $0x40;
	_ =	swait.ge [sflag:s7], $0x10000  }
0x24: {  	s19 =	simm.s32 $0x80;
	s17 =	sadd.s32 $0x2000, s5;
	[sflag:s7] =	ssyncset.done $0x0  }
.LBB2_2:
0x25: {  	s20 =	sadd.s32 s18, s6  }
0x26: {  	[sflag:s7] =	ssyncadd.s32 $0xFFFF0000;
	s18 =	smov.u32 s19;
	s21 =	sadd.s32 $0x40, s19  }
0x27: {  	[tilespmem:s2], [sflag:$0x2] =	stream.linear.gather [hbm4b:s20+s2], $0x200, $0x38;
	[tilespmem:$0x10200] =	vst v63  }
0x28: {  	p0 =	sne.s32 s19, $0x3C0;
	_ =	swait.ge [sflag:s7], $0x200  }
0x29: {  	[sflag:s7] =	ssyncset.done $0x0  }
0x2a: {  	[sflag:s7] =	ssyncadd.s32 $0xFFFFFE00  }
0x2b: {  	[tilespmem:s9], [sflag:$0x1] =	stream.indirect.gather [hbm4b:s3+s8], $0x80, s2, s8, $0xb8;
	[tilespmem:$0x10200] =	vst v63  }
0x2c: {  	_ =	swait.ge [sflag:s10], $0x4000  }
0x2d: {  	[sflag:s10] =	ssyncset.done $0x0  }
0x2e: {  	[sflag:s10] =	ssyncadd.s32 $0xFFFFC000  }
0x2f: {  	[tilespmem:s11], [sflag:$0x1] =	stream.indirect.gather [hbm4b:s3+s8], $0x80, s8, s8, $0xb8;
	[tilespmem:$0x10200] =	vst v63  }
0x30: {  	_ =	swait.ge [sflag:s10], $0x4000  }
0x31: {  	[sflag:s10] =	ssyncset.done $0x0  }
0x32: {  	[sflag:s10] =	ssyncadd.s32 $0xFFFFC000  }
0x33: {  	[tilespmem:s13], [sflag:$0x1] =	stream.indirect.gather [hbm4b:s3+s8], $0x80, s12, s8, $0xb8;
	[tilespmem:$0x10200] =	vst v63  }
0x34: {  	_ =	swait.ge [sflag:s10], $0x4000  }
0x35: {  	[sflag:s10] =	ssyncset.done $0x0  }
0x36: {  	[sflag:s10] =	ssyncadd.s32 $0xFFFFC000  }
0x37: {  	[tilespmem:s15], [sflag:$0x1] =	stream.indirect.gather [hbm4b:s3+s8], $0x80, s14, s8, $0xb8;
	[tilespmem:$0x10200] =	vst v63  }
0x38: {  	_ =	swait.ge [sflag:s10], $0x4000  }
.Ltmp0:
0x39: {  	[sflag:s10] =	ssyncset.done $0x0;
	(pc) =	sbr.rel @p0 .LBB2_2-.Ltmp0, $4  }
0x3a: {  	[sflag:s10] =	ssyncadd.s32 $0xFFFFC000  }
0x3b: {  	[hbm4b:s17+s2] =	stream.linear.scatter [tilespmem:s9], [sflag:$0x2], $0x10000, $0x38;
	[tilespmem:$0x10200] =	vst v63  }
0x3c: {  	_ =	swait.ge [sflag:s7], $0x10000  }
0x3d: {  	s19 =	smov.u32 s21;
	s17 =	sadd.s32 $0x2000, s17;
	[sflag:s7] =	ssyncset.done $0x0  }
0x3e: {  	s18 =	sadd.s32 s18, s6;
	[sflag:s7] =	ssyncadd.s32 $0xFFFF0000  }
0x3f: {  	[tilespmem:s2], [sflag:$0x2] =	stream.linear.gather [hbm4b:s18+s2], $0x200, $0x38;
	[tilespmem:$0x10200] =	vst v63  }
0x40: {  	_ =	swait.ge [sflag:s7], $0x200  }
0x41: {  	[sflag:s7] =	ssyncset.done $0x0  }
0x42: {  	[sflag:s7] =	ssyncadd.s32 $0xFFFFFE00  }
0x43: {  	[tilespmem:s9], [sflag:$0x1] =	stream.indirect.gather [hbm4b:s3+s8], $0x80, s2, s8, $0xb8;
	[tilespmem:$0x10200] =	vst v63  }
0x44: {  	_ =	swait.ge [sflag:s10], $0x4000  }
0x45: {  	[sflag:s10] =	ssyncset.done $0x0  }
0x46: {  	[sflag:s10] =	ssyncadd.s32 $0xFFFFC000  }
0x47: {  	[tilespmem:s11], [sflag:$0x1] =	stream.indirect.gather [hbm4b:s3+s8], $0x80, s8, s8, $0xb8;
	[tilespmem:$0x10200] =	vst v63  }
0x48: {  	_ =	swait.ge [sflag:s10], $0x4000  }
0x49: {  	[sflag:s10] =	ssyncset.done $0x0  }
0x4a: {  	[sflag:s10] =	ssyncadd.s32 $0xFFFFC000  }
0x4b: {  	[tilespmem:s13], [sflag:$0x1] =	stream.indirect.gather [hbm4b:s3+s8], $0x80, s12, s8, $0xb8;
	[tilespmem:$0x10200] =	vst v63  }
0x4c: {  	_ =	swait.ge [sflag:s10], $0x4000  }
0x4d: {  	[sflag:s10] =	ssyncset.done $0x0  }
0x4e: {  	[sflag:s10] =	ssyncadd.s32 $0xFFFFC000  }
0x4f: {  	[tilespmem:s15], [sflag:$0x1] =	stream.indirect.gather [hbm4b:s3+s8], $0x80, s14, s8, $0xb8;
	[tilespmem:$0x10200] =	vst v63  }
0x50: {  	s16 =	sadd.s32 $0x1, s16;
	_ =	swait.ge [sflag:s10], $0x4000  }
0x51: {  	p0 =	sne.s32 s16, s4;
	[sflag:s10] =	ssyncset.done $0x0  }
.Ltmp1:
0x52: {  	[sflag:s10] =	ssyncadd.s32 $0xFFFFC000;
	(pc) =	sbr.rel @p0 .LBB2_1-.Ltmp1, $4  }
0x53: {  	[hbm4b:s17+s2] =	stream.linear.scatter [tilespmem:s9], [sflag:$0x2], $0x10000, $0x38;
	[tilespmem:$0x10200] =	vst v63  }
0x54: {  	_ =	swait.ge [sflag:s7], $0x10000  }
0x55: {  	[sflag:s7] =	ssyncset.done $0x0  }
0x56: {  	[sflag:s7] =	ssyncadd.s32 $0xFFFF0000  }
0x57: {  	_ =	sfence.sel $0x180000  }
0x58: {  	[bflag:$0x0] =	sbarrier.arrive $0xFFFF  }
0x59: {  	p0 =	sne.s32 s0, $0x0;
	_ =	strace $0x9000004A  }
0x5a: {  	s0 =	sadd.s32 @!p0 $0x100000, s1;
	[bflag:$0x2] =	sbarrier.arrive $0xFFFF  }
0x5b: {  	[sflag:s0] =	ssyncadd.tile.s32 @!p0 $0x1;
	_ =	shalt  }
.Lfunc_end2:
_tile_overlayer_lowered:
.L_overlay_start_2:
0x5c: {  	(tag) =	ssettag $0x2  }
0x5d: {  	s0 =	rddreg [dreg:$0x0];
	s2 =	stileid.u32  }
0x5e: {  	s1 =	rddreg [dreg:$0x1];
	p0 =	sne.s32 s2, $0x0  }
0x5f: {  	s3 =	rddreg [dreg:$0x2];
	[bflag:$0x3] =	sbarrier.arrive $0xFFFF;
	s2 =	simm.s32 @!p0 $0x1C02  }
0x60: {  	[timem:s3], [sflag:s2] =	dma.local @!p0 [hbm:s0], s1  }
0x61: {  	s0 =	simm.s32 @!p0 $0x2  }
0x62: {  	_ =	swait.ge @!p0 [sflag:s0], s1  }
0x63: {  	s1 =	ssub.s32 @!p0 $0x0, s1;
	[sflag:s0] =	ssyncset.done @!p0 $0x0  }
0x64: {  	[sflag:s0] =	ssyncadd.s32 @!p0 s1  }
0x65: {  	[bflag:$0x3] =	sbarrier.arrive $0xFFFF  }
0x66: {  	_ =	shalt  }

</sc_bundles>
